<compile_context>
chip_gen: v7x
topology: tpu7x:2x2x1
jax: 0.10.2.dev20260603
libtpu: 0.0.44.dev20260713+nightly
codegen_flags: <defaults>
</compile_context>

<pallas_src>
import functools

import jax
import jax.numpy as jnp
from jax import lax
from jax.experimental import pallas as pl
from jax.experimental.pallas import tpu as pltpu
from jax.experimental.pallas import tpu_sc as plsc

B = 1024
L = 200
IN_G = 125
G_EMB = 64
R_EMB = 16
N_ROAD = 6
VOCAB = 100000
F_OUT = G_EMB + N_ROAD * R_EMB

ROWS = L * B
NW = 32
PER_W = ROWS // NW
R_CH = 256
N_CHUNKS = PER_W // R_CH

LB = 8


def _sc_roads(tables, idx_t):
    mesh = plsc.VectorSubcoreMesh(core_axis_name="c", subcore_axis_name="s")

    @functools.partial(
        pl.kernel,
        mesh=mesh,
        out_type=jax.ShapeDtypeStruct((L, B, 128), jnp.float32),
        scratch_types=[
            pltpu.VMEM((N_ROAD, R_CH), jnp.int32),
            pltpu.VMEM((N_ROAD, R_CH, R_EMB), jnp.float32),
            pltpu.SemaphoreType.DMA,
        ],
        compiler_params=pltpu.CompilerParams(use_tc_tiling_on_sc=False),
    )
    def k(t0_h, t1_h, t2_h, t3_h, t4_h, t5_h, idx_h, out_h, idx_v, rows_v, sem):
        tabs = [t0_h, t1_h, t2_h, t3_h, t4_h, t5_h]
        wid = lax.axis_index("s") * 2 + lax.axis_index("c")
        base = wid * PER_W

        def chunk_body(t, _):
            r0 = base + t * R_CH
            l0 = r0 // B
            b0 = r0 - l0 * B
            pltpu.sync_copy(idx_h.at[:, pl.ds(r0, R_CH)], idx_v.at[...])

            descs = [
                pltpu.async_copy(
                    tabs[j].at[idx_v.at[j, :]],
                    rows_v.at[j],
                    sem,
                )
                for j in range(N_ROAD)
            ]
            for d in descs:
                d.wait()
            for j in range(N_ROAD):
                pltpu.sync_copy(
                    rows_v.at[j],
                    out_h.at[l0, pl.ds(b0, R_CH), pl.ds(j * R_EMB, R_EMB)],
                )
            return 0

        lax.fori_loop(0, N_CHUNKS, chunk_body, 0)

    return k(*tables, idx_t)


def _tc_assemble(x_t, w, b, roads):

    def body(x_ref, w_ref, b_ref, r_ref, o_ref):
        x2 = x_ref[...].reshape(IN_G, LB * B)
        gps = lax.dot_general(
            w_ref[...], x2, (((0,), (0,)), ((), ())),
            preferred_element_type=jnp.float32,
        ) + b_ref[...]
        for l in range(LB):
            o_ref[l, 0:G_EMB, :] = gps[:, l * B:(l + 1) * B]
            o_ref[l, G_EMB:, :] = r_ref[l, :, 0:N_ROAD * R_EMB].T

    return pl.pallas_call(
        body,
        grid=(L // LB,),
        in_specs=[
            pl.BlockSpec((IN_G, LB, B), lambda i: (0, i, 0)),
            pl.BlockSpec((IN_G, G_EMB), lambda i: (0, 0)),
            pl.BlockSpec((G_EMB, 1), lambda i: (0, 0)),
            pl.BlockSpec((LB, B, 128), lambda i: (i, 0, 0)),
        ],
        out_specs=pl.BlockSpec((LB, F_OUT, B), lambda i: (i, 0, 0)),
        out_shape=jax.ShapeDtypeStruct((L, F_OUT, B), jnp.float32),
    )(x_t, w, b.reshape(G_EMB, 1), roads)


def kernel(stat_sensors, stat_gps, stat_road, W_sensors, b_sensors, W_geo, b_geo,
           emb_0, emb_1, emb_2, emb_3, emb_4, emb_5):
    tables = [emb_0, emb_1, emb_2, emb_3, emb_4, emb_5]
    idx_t = jnp.transpose(stat_road, (2, 1, 0)).reshape(N_ROAD, ROWS)
    roads = _sc_roads(tables, idx_t)
    x_t = jnp.transpose(stat_gps, (2, 1, 0))
    out = _tc_assemble(x_t, W_geo, b_geo, roads)
    return jnp.transpose(out, (2, 0, 1))

# --- scband reference (transcript-rebuilt; emitter-appended) ---
"""Pipeline reference for scband-stat-net-46505905881626 (READ-ONLY COPY).

The authoritative reference and input builder live on the scoring server;
editing this copy changes nothing except your own understanding.
"""

import jax, jax.numpy as jnp
import numpy as np

B = 1024
L = 200
IN_S = 125
IN_G = 125
S_EMB = 64
G_EMB = 64
R_EMB = 16
N_ROAD = 6
VOCAB = 100000  # each embedding table has VOCAB+1 rows, padding_idx = VOCAB


def setup_inputs(seed: int = 0) -> dict:
    key = jax.random.key(seed)
    ks = jax.random.split(key, 16)
    inp = {}
    inp["stat_sensors"] = jax.random.normal(ks[0], (B, L, IN_S), dtype=jnp.float32)
    inp["stat_gps"] = jax.random.normal(ks[1], (B, L, IN_G), dtype=jnp.float32)
    inp["stat_road"] = jax.random.randint(ks[2], (B, L, N_ROAD), 0, VOCAB, dtype=jnp.int32)
    # linear layer params (nn.Linear(input_sensors, sensors_embedding) etc.)
    inp["W_sensors"] = jax.random.normal(ks[3], (IN_S, S_EMB), dtype=jnp.float32) * 0.05
    inp["b_sensors"] = jax.random.normal(ks[4], (S_EMB,), dtype=jnp.float32) * 0.05
    inp["W_geo"] = jax.random.normal(ks[5], (IN_G, G_EMB), dtype=jnp.float32) * 0.05
    inp["b_geo"] = jax.random.normal(ks[6], (G_EMB,), dtype=jnp.float32) * 0.05
    # six embedding tables, each (VOCAB+1, R_EMB), last row is padding (zeroed)
    for i in range(N_ROAD):
        t = jax.random.normal(ks[7 + i], (VOCAB + 1, R_EMB), dtype=jnp.float32) * 0.05
        t = t.at[VOCAB].set(0.0)  # padding_idx row
        inp[f"emb_{i}"] = t
    return inp


def reference(stat_sensors, stat_gps, stat_road, W_sensors, b_sensors, W_geo, b_geo,
              emb_0, emb_1, emb_2, emb_3, emb_4, emb_5):
    tables = [emb_0, emb_1, emb_2, emb_3, emb_4, emb_5]
    # stat_sensors = self.fc_sensors(stat_sensors)  (computed but unused in output)
    sensors = jnp.dot(stat_sensors, W_sensors) + b_sensors
    # stat_gps = self.fc_geo(stat_gps)
    gps = jnp.dot(stat_gps, W_geo) + b_geo
    roads = []
    for i in range(N_ROAD):
        road_i = stat_road[:, :, i]
        roads.append(jnp.take(tables[i], road_i, axis=0))
    roads = jnp.concatenate(roads, axis=-1)
    return jnp.concatenate([gps, roads], axis=-1)

if __name__ == "__main__":
    import jax
    _d = setup_inputs()
    print(jax.jit(kernel)(*tuple(_d.values())))

</pallas_src>

<mosaic_0001>
#map = affine_map<(d0, d1) -> (0, 0)>
#map1 = affine_map<(d0, d1) -> (0, 0, 0)>
module attributes {stable_mosaic.version = 14 : i64} {
  func.func @k(%arg0: i32, %arg1: i32, %arg2: memref<100001x16xf32, #tpu.memory_space<hbm>>, %arg3: memref<100001x16xf32, #tpu.memory_space<hbm>>, %arg4: memref<100001x16xf32, #tpu.memory_space<hbm>>, %arg5: memref<100001x16xf32, #tpu.memory_space<hbm>>, %arg6: memref<100001x16xf32, #tpu.memory_space<hbm>>, %arg7: memref<100001x16xf32, #tpu.memory_space<hbm>>, %arg8: memref<6x204800xi32, #tpu.memory_space<hbm>>, %arg9: memref<200x1024x128xf32, #tpu.memory_space<hbm>>, %arg10: memref<6x256xi32, #tpu.memory_space<vmem>>, %arg11: memref<6x256x16xf32, #tpu.memory_space<vmem>>, %arg12: memref<!tpu.dma_semaphore, #tpu.memory_space<semaphore_mem>>) attributes {dimension_semantics = [#tpu.dimension_semantics<core_parallel>, #tpu.dimension_semantics<subcore_parallel>], iteration_bounds = array<i64: 2, 16>, scalar_prefetch = 0 : i64, scratch_operands = 3 : i64, tpu.core_type = #tpu.core_type<sc_vector_subcore>, window_params = [{transform_indices = #map}, {transform_indices = #map}, {transform_indices = #map}, {transform_indices = #map}, {transform_indices = #map}, {transform_indices = #map}, {transform_indices = #map}, {transform_indices = #map1}]} {
    %mul3A = arith.constant 2 : i32
    %mul3A_0 = arith.muli %arg1, %mul3A : i32
    %add3A = arith.addi %mul3A_0, %arg0 : i32
    %mul3A_1 = arith.constant 6400 : i32
    %mul3A_2 = arith.muli %add3A, %mul3A_1 : i32
    %scan3A = arith.constant 0 : i32
    %scan3A_3 = arith.constant 0 : i32
    %scan3A_4 = arith.constant 25 : i32
    %scan3A_5 = arith.addi %scan3A_3, %scan3A_4 : i32
    %scan3A_6 = arith.constant 1 : i32
    %scan3A_7 = scf.for %scan3A_9 = %scan3A_3 to %scan3A_5 step %scan3A_6 iter_args(%scan3A_10 = %scan3A) -> (i32)  : i32 {
      %mul3A_11 = arith.constant 256 : i32
      %mul3A_12 = arith.muli %scan3A_9, %mul3A_11 : i32
      %add3A_13 = arith.addi %mul3A_2, %mul3A_12 : i32
      %jit3A = arith.constant 1024 : i32
      %div3A = arith.divsi %add3A_13, %jit3A : i32
      %sign3A = arith.constant 0 : i32
      %sign3A_14 = arith.cmpi sgt, %add3A_13, %sign3A : i32
      %sign3A_15 = arith.extui %sign3A_14 : i1 to i32
      %sign3A_16 = arith.constant 0 : i32
      %sign3A_17 = arith.cmpi slt, %add3A_13, %sign3A_16 : i32
      %sign3A_18 = arith.extui %sign3A_17 : i1 to i32
      %sign3A_19 = arith.subi %sign3A_15, %sign3A_18 : i32
      %sign3A_20 = arith.constant 0 : i32
      %sign3A_21 = arith.cmpi sgt, %jit3A, %sign3A_20 : i32
      %sign3A_22 = arith.extui %sign3A_21 : i1 to i32
      %sign3A_23 = arith.constant 0 : i32
      %sign3A_24 = arith.cmpi slt, %jit3A, %sign3A_23 : i32
      %sign3A_25 = arith.extui %sign3A_24 : i1 to i32
      %sign3A_26 = arith.subi %sign3A_22, %sign3A_25 : i32
      %ne3A = arith.cmpi ne, %sign3A_19, %sign3A_26 : i32
      %rem3A = arith.remsi %add3A_13, %jit3A : i32
      %ne3A_27 = arith.constant 0 : i32
      %ne3A_28 = arith.cmpi ne, %rem3A, %ne3A_27 : i32
      %and3A = arith.andi %ne3A, %ne3A_28 : i1
      %sub3A = arith.constant 1 : i32
      %sub3A_29 = arith.subi %div3A, %sub3A : i32
      %select_n3A = arith.select %and3A, %sub3A_29, %div3A : i32
      %mul3A_30 = arith.constant 1024 : i32
      %mul3A_31 = arith.muli %select_n3A, %mul3A_30 : i32
      %sub3A_32 = arith.subi %add3A_13, %mul3A_31 : i32
      "tpu.region"() ({
        %run_scoped3A_181 = tpu.sem_alloc : memref<!tpu.dma_semaphore, #tpu.memory_space<semaphore_mem>>
        %dma_start3A_182 = arith.constant 0 : i32
        %dma_start3A_183 = arith.constant 0 : i32
        %dma_start3A_184 = tpu.memref_slice %arg10[%dma_start3A_182, %dma_start3A_183] : memref<6x256xi32, #tpu.memory_space<vmem>> -> memref<6x256xi32, #tpu.memory_space<vmem>>
        %dma_start3A_185 = arith.constant 0 : i32
        %dma_start3A_186 = tpu.memref_slice %arg8[%dma_start3A_185, %add3A_13] : memref<6x204800xi32, #tpu.memory_space<hbm>> -> memref<6x256xi32, #tpu.memory_space<hbm>>
        %dma_start3A_187 = arith.constant 0 : i32
        %dma_start3A_188 = arith.constant 0 : i32
        %dma_start3A_189 = tpu.memref_slice %arg10[%dma_start3A_187, %dma_start3A_188] : memref<6x256xi32, #tpu.memory_space<vmem>> -> memref<6x256xi32, #tpu.memory_space<vmem>>
        %dma_start3A_190 = arith.constant 0 : i32
        %dma_start3A_191 = tpu.memref_slice %arg8[%dma_start3A_190, %add3A_13] : memref<6x204800xi32, #tpu.memory_space<hbm>> -> memref<6x256xi32, #tpu.memory_space<hbm>>
        tpu.enqueue_dma source(%dma_start3A_191 : memref<6x256xi32, #tpu.memory_space<hbm>>) target(%dma_start3A_189 : memref<6x256xi32, #tpu.memory_space<vmem>>) target_semaphore(%run_scoped3A_181 : memref<!tpu.dma_semaphore, #tpu.memory_space<semaphore_mem>>)
        %dma_wait3A_192 = arith.constant 0 : i32
        %dma_wait3A_193 = arith.constant 0 : i32
        %dma_wait3A_194 = tpu.memref_slice %arg10[%dma_wait3A_192, %dma_wait3A_193] : memref<6x256xi32, #tpu.memory_space<vmem>> -> memref<6x256xi32, #tpu.memory_space<vmem>>
        %dma_wait3A_195 = arith.constant 0 : i32
        %dma_wait3A_196 = tpu.memref_slice %arg8[%dma_wait3A_195, %add3A_13] : memref<6x204800xi32, #tpu.memory_space<hbm>> -> memref<6x256xi32, #tpu.memory_space<hbm>>
        %dma_wait3A_197 = arith.constant 0 : i32
        %dma_wait3A_198 = arith.constant 0 : i32
        %dma_wait3A_199 = tpu.memref_slice %arg10[%dma_wait3A_197, %dma_wait3A_198] : memref<6x256xi32, #tpu.memory_space<vmem>> -> memref<6x256xi32, #tpu.memory_space<vmem>>
        %dma_wait3A_200 = arith.constant 0 : i32
        %dma_wait3A_201 = tpu.memref_slice %arg8[%dma_wait3A_200, %add3A_13] : memref<6x204800xi32, #tpu.memory_space<hbm>> -> memref<6x256xi32, #tpu.memory_space<hbm>>
        tpu.wait_dma2 semaphore(%run_scoped3A_181 : memref<!tpu.dma_semaphore, #tpu.memory_space<semaphore_mem>>) src(%dma_wait3A_201 : memref<6x256xi32, #tpu.memory_space<hbm>>) dst(%dma_wait3A_199 : memref<6x256xi32, #tpu.memory_space<vmem>>)
        tpu.yield
      }) : () -> ()
      %dma_start3A = arith.constant 0 : i32
      %dma_start3A_33 = arith.constant 0 : i32
      %dma_start3A_34 = arith.constant 0 : i32
      %dma_start3A_35 = arith.constant 0 : i32
      %dma_start3A_36 = tpu.memref_slice %arg11[%dma_start3A_33, %dma_start3A_34, %dma_start3A_35] : memref<6x256x16xf32, #tpu.memory_space<vmem>> -> memref<1x256x16xf32, #tpu.memory_space<vmem>>
      %dma_start3A_37 = tpu.memref_squeeze %dma_start3A_36 : memref<1x256x16xf32, #tpu.memory_space<vmem>> -> memref<256x16xf32, #tpu.memory_space<vmem>>
      %dma_start3A_38 = arith.constant 0 : i32
      %dma_start3A_39 = tpu.memref_slice %arg10[%dma_start3A, %dma_start3A_38] : memref<6x256xi32, #tpu.memory_space<vmem>> -> memref<1x256xi32, #tpu.memory_space<vmem>>
      %dma_start3A_40 = tpu.memref_squeeze %dma_start3A_39 : memref<1x256xi32, #tpu.memory_space<vmem>> -> memref<256xi32, #tpu.memory_space<vmem>>
      %dma_start3A_41 = arith.constant 0 : i32
      %dma_start3A_42 = arith.constant 0 : i32
      %dma_start3A_43 = tpu.memref_slice %arg2[%dma_start3A_41, %dma_start3A_42] : memref<100001x16xf32, #tpu.memory_space<hbm>> -> memref<100001x16xf32, #tpu.memory_space<hbm>>
      tpu.enqueue_indirect_dma source(%dma_start3A_43 : memref<100001x16xf32, #tpu.memory_space<hbm>>) target(%dma_start3A_37 : memref<256x16xf32, #tpu.memory_space<vmem>>) offsets(%dma_start3A_40 : memref<256xi32, #tpu.memory_space<vmem>>) semaphore(%arg12 : memref<!tpu.dma_semaphore, #tpu.memory_space<semaphore_mem>>)
      %dma_start3A_44 = arith.constant 1 : i32
      %dma_start3A_45 = arith.constant 1 : i32
      %dma_start3A_46 = arith.constant 0 : i32
      %dma_start3A_47 = arith.constant 0 : i32
      %dma_start3A_48 = tpu.memref_slice %arg11[%dma_start3A_45, %dma_start3A_46, %dma_start3A_47] : memref<6x256x16xf32, #tpu.memory_space<vmem>> -> memref<1x256x16xf32, #tpu.memory_space<vmem>>
      %dma_start3A_49 = tpu.memref_squeeze %dma_start3A_48 : memref<1x256x16xf32, #tpu.memory_space<vmem>> -> memref<256x16xf32, #tpu.memory_space<vmem>>
      %dma_start3A_50 = arith.constant 0 : i32
      %dma_start3A_51 = tpu.memref_slice %arg10[%dma_start3A_44, %dma_start3A_50] : memref<6x256xi32, #tpu.memory_space<vmem>> -> memref<1x256xi32, #tpu.memory_space<vmem>>
      %dma_start3A_52 = tpu.memref_squeeze %dma_start3A_51 : memref<1x256xi32, #tpu.memory_space<vmem>> -> memref<256xi32, #tpu.memory_space<vmem>>
      %dma_start3A_53 = arith.constant 0 : i32
      %dma_start3A_54 = arith.constant 0 : i32
      %dma_start3A_55 = tpu.memref_slice %arg3[%dma_start3A_53, %dma_start3A_54] : memref<100001x16xf32, #tpu.memory_space<hbm>> -> memref<100001x16xf32, #tpu.memory_space<hbm>>
      tpu.enqueue_indirect_dma source(%dma_start3A_55 : memref<100001x16xf32, #tpu.memory_space<hbm>>) target(%dma_start3A_49 : memref<256x16xf32, #tpu.memory_space<vmem>>) offsets(%dma_start3A_52 : memref<256xi32, #tpu.memory_space<vmem>>) semaphore(%arg12 : memref<!tpu.dma_semaphore, #tpu.memory_space<semaphore_mem>>)
      %dma_start3A_56 = arith.constant 2 : i32
      %dma_start3A_57 = arith.constant 2 : i32
      %dma_start3A_58 = arith.constant 0 : i32
      %dma_start3A_59 = arith.constant 0 : i32
      %dma_start3A_60 = tpu.memref_slice %arg11[%dma_start3A_57, %dma_start3A_58, %dma_start3A_59] : memref<6x256x16xf32, #tpu.memory_space<vmem>> -> memref<1x256x16xf32, #tpu.memory_space<vmem>>
      %dma_start3A_61 = tpu.memref_squeeze %dma_start3A_60 : memref<1x256x16xf32, #tpu.memory_space<vmem>> -> memref<256x16xf32, #tpu.memory_space<vmem>>
      %dma_start3A_62 = arith.constant 0 : i32
      %dma_start3A_63 = tpu.memref_slice %arg10[%dma_start3A_56, %dma_start3A_62] : memref<6x256xi32, #tpu.memory_space<vmem>> -> memref<1x256xi32, #tpu.memory_space<vmem>>
      %dma_start3A_64 = tpu.memref_squeeze %dma_start3A_63 : memref<1x256xi32, #tpu.memory_space<vmem>> -> memref<256xi32, #tpu.memory_space<vmem>>
      %dma_start3A_65 = arith.constant 0 : i32
      %dma_start3A_66 = arith.constant 0 : i32
      %dma_start3A_67 = tpu.memref_slice %arg4[%dma_start3A_65, %dma_start3A_66] : memref<100001x16xf32, #tpu.memory_space<hbm>> -> memref<100001x16xf32, #tpu.memory_space<hbm>>
      tpu.enqueue_indirect_dma source(%dma_start3A_67 : memref<100001x16xf32, #tpu.memory_space<hbm>>) target(%dma_start3A_61 : memref<256x16xf32, #tpu.memory_space<vmem>>) offsets(%dma_start3A_64 : memref<256xi32, #tpu.memory_space<vmem>>) semaphore(%arg12 : memref<!tpu.dma_semaphore, #tpu.memory_space<semaphore_mem>>)
      %dma_start3A_68 = arith.constant 3 : i32
      %dma_start3A_69 = arith.constant 3 : i32
      %dma_start3A_70 = arith.constant 0 : i32
      %dma_start3A_71 = arith.constant 0 : i32
      %dma_start3A_72 = tpu.memref_slice %arg11[%dma_start3A_69, %dma_start3A_70, %dma_start3A_71] : memref<6x256x16xf32, #tpu.memory_space<vmem>> -> memref<1x256x16xf32, #tpu.memory_space<vmem>>
      %dma_start3A_73 = tpu.memref_squeeze %dma_start3A_72 : memref<1x256x16xf32, #tpu.memory_space<vmem>> -> memref<256x16xf32, #tpu.memory_space<vmem>>
      %dma_start3A_74 = arith.constant 0 : i32
      %dma_start3A_75 = tpu.memref_slice %arg10[%dma_start3A_68, %dma_start3A_74] : memref<6x256xi32, #tpu.memory_space<vmem>> -> memref<1x256xi32, #tpu.memory_space<vmem>>
      %dma_start3A_76 = tpu.memref_squeeze %dma_start3A_75 : memref<1x256xi32, #tpu.memory_space<vmem>> -> memref<256xi32, #tpu.memory_space<vmem>>
      %dma_start3A_77 = arith.constant 0 : i32
      %dma_start3A_78 = arith.constant 0 : i32
      %dma_start3A_79 = tpu.memref_slice %arg5[%dma_start3A_77, %dma_start3A_78] : memref<100001x16xf32, #tpu.memory_space<hbm>> -> memref<100001x16xf32, #tpu.memory_space<hbm>>
      tpu.enqueue_indirect_dma source(%dma_start3A_79 : memref<100001x16xf32, #tpu.memory_space<hbm>>) target(%dma_start3A_73 : memref<256x16xf32, #tpu.memory_space<vmem>>) offsets(%dma_start3A_76 : memref<256xi32, #tpu.memory_space<vmem>>) semaphore(%arg12 : memref<!tpu.dma_semaphore, #tpu.memory_space<semaphore_mem>>)
      %dma_start3A_80 = arith.constant 4 : i32
      %dma_start3A_81 = arith.constant 4 : i32
      %dma_start3A_82 = arith.constant 0 : i32
      %dma_start3A_83 = arith.constant 0 : i32
      %dma_start3A_84 = tpu.memref_slice %arg11[%dma_start3A_81, %dma_start3A_82, %dma_start3A_83] : memref<6x256x16xf32, #tpu.memory_space<vmem>> -> memref<1x256x16xf32, #tpu.memory_space<vmem>>
      %dma_start3A_85 = tpu.memref_squeeze %dma_start3A_84 : memref<1x256x16xf32, #tpu.memory_space<vmem>> -> memref<256x16xf32, #tpu.memory_space<vmem>>
      %dma_start3A_86 = arith.constant 0 : i32
      %dma_start3A_87 = tpu.memref_slice %arg10[%dma_start3A_80, %dma_start3A_86] : memref<6x256xi32, #tpu.memory_space<vmem>> -> memref<1x256xi32, #tpu.memory_space<vmem>>
      %dma_start3A_88 = tpu.memref_squeeze %dma_start3A_87 : memref<1x256xi32, #tpu.memory_space<vmem>> -> memref<256xi32, #tpu.memory_space<vmem>>
      %dma_start3A_89 = arith.constant 0 : i32
      %dma_start3A_90 = arith.constant 0 : i32
      %dma_start3A_91 = tpu.memref_slice %arg6[%dma_start3A_89, %dma_start3A_90] : memref<100001x16xf32, #tpu.memory_space<hbm>> -> memref<100001x16xf32, #tpu.memory_space<hbm>>
      tpu.enqueue_indirect_dma source(%dma_start3A_91 : memref<100001x16xf32, #tpu.memory_space<hbm>>) target(%dma_start3A_85 : memref<256x16xf32, #tpu.memory_space<vmem>>) offsets(%dma_start3A_88 : memref<256xi32, #tpu.memory_space<vmem>>) semaphore(%arg12 : memref<!tpu.dma_semaphore, #tpu.memory_space<semaphore_mem>>)
      %dma_start3A_92 = arith.constant 5 : i32
      %dma_start3A_93 = arith.constant 5 : i32
      %dma_start3A_94 = arith.constant 0 : i32
      %dma_start3A_95 = arith.constant 0 : i32
      %dma_start3A_96 = tpu.memref_slice %arg11[%dma_start3A_93, %dma_start3A_94, %dma_start3A_95] : memref<6x256x16xf32, #tpu.memory_space<vmem>> -> memref<1x256x16xf32, #tpu.memory_space<vmem>>
      %dma_start3A_97 = tpu.memref_squeeze %dma_start3A_96 : memref<1x256x16xf32, #tpu.memory_space<vmem>> -> memref<256x16xf32, #tpu.memory_space<vmem>>
      %dma_start3A_98 = arith.constant 0 : i32
      %dma_start3A_99 = tpu.memref_slice %arg10[%dma_start3A_92, %dma_start3A_98] : memref<6x256xi32, #tpu.memory_space<vmem>> -> memref<1x256xi32, #tpu.memory_space<vmem>>
      %dma_start3A_100 = tpu.memref_squeeze %dma_start3A_99 : memref<1x256xi32, #tpu.memory_space<vmem>> -> memref<256xi32, #tpu.memory_space<vmem>>
      %dma_start3A_101 = arith.constant 0 : i32
      %dma_start3A_102 = arith.constant 0 : i32
      %dma_start3A_103 = tpu.memref_slice %arg7[%dma_start3A_101, %dma_start3A_102] : memref<100001x16xf32, #tpu.memory_space<hbm>> -> memref<100001x16xf32, #tpu.memory_space<hbm>>
      tpu.enqueue_indirect_dma source(%dma_start3A_103 : memref<100001x16xf32, #tpu.memory_space<hbm>>) target(%dma_start3A_97 : memref<256x16xf32, #tpu.memory_space<vmem>>) offsets(%dma_start3A_100 : memref<256xi32, #tpu.memory_space<vmem>>) semaphore(%arg12 : memref<!tpu.dma_semaphore, #tpu.memory_space<semaphore_mem>>)
      %dma_wait3A = arith.constant 0 : i32
      %dma_wait3A_104 = arith.constant 0 : i32
      %dma_wait3A_105 = arith.constant 0 : i32
      %dma_wait3A_106 = arith.constant 0 : i32
      %dma_wait3A_107 = tpu.memref_slice %arg11[%dma_wait3A_104, %dma_wait3A_105, %dma_wait3A_106] : memref<6x256x16xf32, #tpu.memory_space<vmem>> -> memref<1x256x16xf32, #tpu.memory_space<vmem>>
      %dma_wait3A_108 = tpu.memref_squeeze %dma_wait3A_107 : memref<1x256x16xf32, #tpu.memory_space<vmem>> -> memref<256x16xf32, #tpu.memory_space<vmem>>
      %dma_wait3A_109 = arith.constant 0 : i32
      %dma_wait3A_110 = tpu.memref_slice %arg10[%dma_wait3A, %dma_wait3A_109] : memref<6x256xi32, #tpu.memory_space<vmem>> -> memref<1x256xi32, #tpu.memory_space<vmem>>
      %dma_wait3A_111 = tpu.memref_squeeze %dma_wait3A_110 : memref<1x256xi32, #tpu.memory_space<vmem>> -> memref<256xi32, #tpu.memory_space<vmem>>
      %dma_wait3A_112 = arith.constant 0 : i32
      %dma_wait3A_113 = arith.constant 0 : i32
      %dma_wait3A_114 = tpu.memref_slice %arg2[%dma_wait3A_112, %dma_wait3A_113] : memref<100001x16xf32, #tpu.memory_space<hbm>> -> memref<100001x16xf32, #tpu.memory_space<hbm>>
      tpu.wait_indirect_dma semaphore(%arg12 : memref<!tpu.dma_semaphore, #tpu.memory_space<semaphore_mem>>) src(%dma_wait3A_114 : memref<100001x16xf32, #tpu.memory_space<hbm>>) dst(%dma_wait3A_108 : memref<256x16xf32, #tpu.memory_space<vmem>>)
      %dma_wait3A_115 = arith.constant 1 : i32
      %dma_wait3A_116 = arith.constant 1 : i32
      %dma_wait3A_117 = arith.constant 0 : i32
      %dma_wait3A_118 = arith.constant 0 : i32
      %dma_wait3A_119 = tpu.memref_slice %arg11[%dma_wait3A_116, %dma_wait3A_117, %dma_wait3A_118] : memref<6x256x16xf32, #tpu.memory_space<vmem>> -> memref<1x256x16xf32, #tpu.memory_space<vmem>>
      %dma_wait3A_120 = tpu.memref_squeeze %dma_wait3A_119 : memref<1x256x16xf32, #tpu.memory_space<vmem>> -> memref<256x16xf32, #tpu.memory_space<vmem>>
      %dma_wait3A_121 = arith.constant 0 : i32
      %dma_wait3A_122 = tpu.memref_slice %arg10[%dma_wait3A_115, %dma_wait3A_121] : memref<6x256xi32, #tpu.memory_space<vmem>> -> memref<1x256xi32, #tpu.memory_space<vmem>>
      %dma_wait3A_123 = tpu.memref_squeeze %dma_wait3A_122 : memref<1x256xi32, #tpu.memory_space<vmem>> -> memref<256xi32, #tpu.memory_space<vmem>>
      %dma_wait3A_124 = arith.constant 0 : i32
      %dma_wait3A_125 = arith.constant 0 : i32
      %dma_wait3A_126 = tpu.memref_slice %arg3[%dma_wait3A_124, %dma_wait3A_125] : memref<100001x16xf32, #tpu.memory_space<hbm>> -> memref<100001x16xf32, #tpu.memory_space<hbm>>
      tpu.wait_indirect_dma semaphore(%arg12 : memref<!tpu.dma_semaphore, #tpu.memory_space<semaphore_mem>>) src(%dma_wait3A_126 : memref<100001x16xf32, #tpu.memory_space<hbm>>) dst(%dma_wait3A_120 : memref<256x16xf32, #tpu.memory_space<vmem>>)
      %dma_wait3A_127 = arith.constant 2 : i32
      %dma_wait3A_128 = arith.constant 2 : i32
      %dma_wait3A_129 = arith.constant 0 : i32
      %dma_wait3A_130 = arith.constant 0 : i32
      %dma_wait3A_131 = tpu.memref_slice %arg11[%dma_wait3A_128, %dma_wait3A_129, %dma_wait3A_130] : memref<6x256x16xf32, #tpu.memory_space<vmem>> -> memref<1x256x16xf32, #tpu.memory_space<vmem>>
      %dma_wait3A_132 = tpu.memref_squeeze %dma_wait3A_131 : memref<1x256x16xf32, #tpu.memory_space<vmem>> -> memref<256x16xf32, #tpu.memory_space<vmem>>
      %dma_wait3A_133 = arith.constant 0 : i32
      %dma_wait3A_134 = tpu.memref_slice %arg10[%dma_wait3A_127, %dma_wait3A_133] : memref<6x256xi32, #tpu.memory_space<vmem>> -> memref<1x256xi32, #tpu.memory_space<vmem>>
      %dma_wait3A_135 = tpu.memref_squeeze %dma_wait3A_134 : memref<1x256xi32, #tpu.memory_space<vmem>> -> memref<256xi32, #tpu.memory_space<vmem>>
      %dma_wait3A_136 = arith.constant 0 : i32
      %dma_wait3A_137 = arith.constant 0 : i32
      %dma_wait3A_138 = tpu.memref_slice %arg4[%dma_wait3A_136, %dma_wait3A_137] : memref<100001x16xf32, #tpu.memory_space<hbm>> -> memref<100001x16xf32, #tpu.memory_space<hbm>>
      tpu.wait_indirect_dma semaphore(%arg12 : memref<!tpu.dma_semaphore, #tpu.memory_space<semaphore_mem>>) src(%dma_wait3A_138 : memref<100001x16xf32, #tpu.memory_space<hbm>>) dst(%dma_wait3A_132 : memref<256x16xf32, #tpu.memory_space<vmem>>)
      %dma_wait3A_139 = arith.constant 3 : i32
      %dma_wait3A_140 = arith.constant 3 : i32
      %dma_wait3A_141 = arith.constant 0 : i32
      %dma_wait3A_142 = arith.constant 0 : i32
      %dma_wait3A_143 = tpu.memref_slice %arg11[%dma_wait3A_140, %dma_wait3A_141, %dma_wait3A_142] : memref<6x256x16xf32, #tpu.memory_space<vmem>> -> memref<1x256x16xf32, #tpu.memory_space<vmem>>
      %dma_wait3A_144 = tpu.memref_squeeze %dma_wait3A_143 : memref<1x256x16xf32, #tpu.memory_space<vmem>> -> memref<256x16xf32, #tpu.memory_space<vmem>>
      %dma_wait3A_145 = arith.constant 0 : i32
      %dma_wait3A_146 = tpu.memref_slice %arg10[%dma_wait3A_139, %dma_wait3A_145] : memref<6x256xi32, #tpu.memory_space<vmem>> -> memref<1x256xi32, #tpu.memory_space<vmem>>
      %dma_wait3A_147 = tpu.memref_squeeze %dma_wait3A_146 : memref<1x256xi32, #tpu.memory_space<vmem>> -> memref<256xi32, #tpu.memory_space<vmem>>
      %dma_wait3A_148 = arith.constant 0 : i32
      %dma_wait3A_149 = arith.constant 0 : i32
      %dma_wait3A_150 = tpu.memref_slice %arg5[%dma_wait3A_148, %dma_wait3A_149] : memref<100001x16xf32, #tpu.memory_space<hbm>> -> memref<100001x16xf32, #tpu.memory_space<hbm>>
      tpu.wait_indirect_dma semaphore(%arg12 : memref<!tpu.dma_semaphore, #tpu.memory_space<semaphore_mem>>) src(%dma_wait3A_150 : memref<100001x16xf32, #tpu.memory_space<hbm>>) dst(%dma_wait3A_144 : memref<256x16xf32, #tpu.memory_space<vmem>>)
      %dma_wait3A_151 = arith.constant 4 : i32
      %dma_wait3A_152 = arith.constant 4 : i32
      %dma_wait3A_153 = arith.constant 0 : i32
      %dma_wait3A_154 = arith.constant 0 : i32
      %dma_wait3A_155 = tpu.memref_slice %arg11[%dma_wait3A_152, %dma_wait3A_153, %dma_wait3A_154] : memref<6x256x16xf32, #tpu.memory_space<vmem>> -> memref<1x256x16xf32, #tpu.memory_space<vmem>>
      %dma_wait3A_156 = tpu.memref_squeeze %dma_wait3A_155 : memref<1x256x16xf32, #tpu.memory_space<vmem>> -> memref<256x16xf32, #tpu.memory_space<vmem>>
      %dma_wait3A_157 = arith.constant 0 : i32
      %dma_wait3A_158 = tpu.memref_slice %arg10[%dma_wait3A_151, %dma_wait3A_157] : memref<6x256xi32, #tpu.memory_space<vmem>> -> memref<1x256xi32, #tpu.memory_space<vmem>>
      %dma_wait3A_159 = tpu.memref_squeeze %dma_wait3A_158 : memref<1x256xi32, #tpu.memory_space<vmem>> -> memref<256xi32, #tpu.memory_space<vmem>>
      %dma_wait3A_160 = arith.constant 0 : i32
      %dma_wait3A_161 = arith.constant 0 : i32
      %dma_wait3A_162 = tpu.memref_slice %arg6[%dma_wait3A_160, %dma_wait3A_161] : memref<100001x16xf32, #tpu.memory_space<hbm>> -> memref<100001x16xf32, #tpu.memory_space<hbm>>
      tpu.wait_indirect_dma semaphore(%arg12 : memref<!tpu.dma_semaphore, #tpu.memory_space<semaphore_mem>>) src(%dma_wait3A_162 : memref<100001x16xf32, #tpu.memory_space<hbm>>) dst(%dma_wait3A_156 : memref<256x16xf32, #tpu.memory_space<vmem>>)
      %dma_wait3A_163 = arith.constant 5 : i32
      %dma_wait3A_164 = arith.constant 5 : i32
      %dma_wait3A_165 = arith.constant 0 : i32
      %dma_wait3A_166 = arith.constant 0 : i32
      %dma_wait3A_167 = tpu.memref_slice %arg11[%dma_wait3A_164, %dma_wait3A_165, %dma_wait3A_166] : memref<6x256x16xf32, #tpu.memory_space<vmem>> -> memref<1x256x16xf32, #tpu.memory_space<vmem>>
      %dma_wait3A_168 = tpu.memref_squeeze %dma_wait3A_167 : memref<1x256x16xf32, #tpu.memory_space<vmem>> -> memref<256x16xf32, #tpu.memory_space<vmem>>
      %dma_wait3A_169 = arith.constant 0 : i32
      %dma_wait3A_170 = tpu.memref_slice %arg10[%dma_wait3A_163, %dma_wait3A_169] : memref<6x256xi32, #tpu.memory_space<vmem>> -> memref<1x256xi32, #tpu.memory_space<vmem>>
      %dma_wait3A_171 = tpu.memref_squeeze %dma_wait3A_170 : memref<1x256xi32, #tpu.memory_space<vmem>> -> memref<256xi32, #tpu.memory_space<vmem>>
      %dma_wait3A_172 = arith.constant 0 : i32
      %dma_wait3A_173 = arith.constant 0 : i32
      %dma_wait3A_174 = tpu.memref_slice %arg7[%dma_wait3A_172, %dma_wait3A_173] : memref<100001x16xf32, #tpu.memory_space<hbm>> -> memref<100001x16xf32, #tpu.memory_space<hbm>>
      tpu.wait_indirect_dma semaphore(%arg12 : memref<!tpu.dma_semaphore, #tpu.memory_space<semaphore_mem>>) src(%dma_wait3A_174 : memref<100001x16xf32, #tpu.memory_space<hbm>>) dst(%dma_wait3A_168 : memref<256x16xf32, #tpu.memory_space<vmem>>)
      %run_scoped3A = arith.constant 0 : i32
      "tpu.region"() ({
        %run_scoped3A_181 = tpu.sem_alloc : memref<!tpu.dma_semaphore, #tpu.memory_space<semaphore_mem>>
        %dma_start3A_182 = arith.constant 0 : i32
        %dma_start3A_183 = arith.constant 0 : i32
        %dma_start3A_184 = tpu.memref_slice %arg11[%run_scoped3A, %dma_start3A_182, %dma_start3A_183] : memref<6x256x16xf32, #tpu.memory_space<vmem>> -> memref<1x256x16xf32, #tpu.memory_space<vmem>>
        %dma_start3A_185 = tpu.memref_squeeze %dma_start3A_184 : memref<1x256x16xf32, #tpu.memory_space<vmem>> -> memref<256x16xf32, #tpu.memory_space<vmem>>
        %dma_start3A_186 = arith.constant 0 : i32
        %dma_start3A_187 = tpu.memref_slice %arg9[%select_n3A, %sub3A_32, %dma_start3A_186] : memref<200x1024x128xf32, #tpu.memory_space<hbm>> -> memref<1x256x16xf32, #tpu.memory_space<hbm>>
        %dma_start3A_188 = tpu.memref_squeeze %dma_start3A_187 : memref<1x256x16xf32, #tpu.memory_space<hbm>> -> memref<256x16xf32, #tpu.memory_space<hbm>>
        %dma_start3A_189 = arith.constant 0 : i32
        %dma_start3A_190 = tpu.memref_slice %arg9[%select_n3A, %sub3A_32, %dma_start3A_189] : memref<200x1024x128xf32, #tpu.memory_space<hbm>> -> memref<1x256x16xf32, #tpu.memory_space<hbm>>
        %dma_start3A_191 = tpu.memref_squeeze %dma_start3A_190 : memref<1x256x16xf32, #tpu.memory_space<hbm>> -> memref<256x16xf32, #tpu.memory_space<hbm>>
        %dma_start3A_192 = arith.constant 0 : i32
        %dma_start3A_193 = arith.constant 0 : i32
        %dma_start3A_194 = tpu.memref_slice %arg11[%run_scoped3A, %dma_start3A_192, %dma_start3A_193] : memref<6x256x16xf32, #tpu.memory_space<vmem>> -> memref<1x256x16xf32, #tpu.memory_space<vmem>>
        %dma_start3A_195 = tpu.memref_squeeze %dma_start3A_194 : memref<1x256x16xf32, #tpu.memory_space<vmem>> -> memref<256x16xf32, #tpu.memory_space<vmem>>
        tpu.enqueue_dma source(%dma_start3A_195 : memref<256x16xf32, #tpu.memory_space<vmem>>) target(%dma_start3A_191 : memref<256x16xf32, #tpu.memory_space<hbm>>) target_semaphore(%run_scoped3A_181 : memref<!tpu.dma_semaphore, #tpu.memory_space<semaphore_mem>>)
        %dma_wait3A_196 = arith.constant 0 : i32
        %dma_wait3A_197 = arith.constant 0 : i32
        %dma_wait3A_198 = tpu.memref_slice %arg11[%run_scoped3A, %dma_wait3A_196, %dma_wait3A_197] : memref<6x256x16xf32, #tpu.memory_space<vmem>> -> memref<1x256x16xf32, #tpu.memory_space<vmem>>
        %dma_wait3A_199 = tpu.memref_squeeze %dma_wait3A_198 : memref<1x256x16xf32, #tpu.memory_space<vmem>> -> memref<256x16xf32, #tpu.memory_space<vmem>>
        %dma_wait3A_200 = arith.constant 0 : i32
        %dma_wait3A_201 = tpu.memref_slice %arg9[%select_n3A, %sub3A_32, %dma_wait3A_200] : memref<200x1024x128xf32, #tpu.memory_space<hbm>> -> memref<1x256x16xf32, #tpu.memory_space<hbm>>
        %dma_wait3A_202 = tpu.memref_squeeze %dma_wait3A_201 : memref<1x256x16xf32, #tpu.memory_space<hbm>> -> memref<256x16xf32, #tpu.memory_space<hbm>>
        %dma_wait3A_203 = arith.constant 0 : i32
        %dma_wait3A_204 = tpu.memref_slice %arg9[%select_n3A, %sub3A_32, %dma_wait3A_203] : memref<200x1024x128xf32, #tpu.memory_space<hbm>> -> memref<1x256x16xf32, #tpu.memory_space<hbm>>
        %dma_wait3A_205 = tpu.memref_squeeze %dma_wait3A_204 : memref<1x256x16xf32, #tpu.memory_space<hbm>> -> memref<256x16xf32, #tpu.memory_space<hbm>>
        %dma_wait3A_206 = arith.constant 0 : i32
        %dma_wait3A_207 = arith.constant 0 : i32
        %dma_wait3A_208 = tpu.memref_slice %arg11[%run_scoped3A, %dma_wait3A_206, %dma_wait3A_207] : memref<6x256x16xf32, #tpu.memory_space<vmem>> -> memref<1x256x16xf32, #tpu.memory_space<vmem>>
        %dma_wait3A_209 = tpu.memref_squeeze %dma_wait3A_208 : memref<1x256x16xf32, #tpu.memory_space<vmem>> -> memref<256x16xf32, #tpu.memory_space<vmem>>
        tpu.wait_dma2 semaphore(%run_scoped3A_181 : memref<!tpu.dma_semaphore, #tpu.memory_space<semaphore_mem>>) src(%dma_wait3A_209 : memref<256x16xf32, #tpu.memory_space<vmem>>) dst(%dma_wait3A_205 : memref<256x16xf32, #tpu.memory_space<hbm>>)
        tpu.yield
      }) : () -> ()
      %run_scoped3A_175 = arith.constant 1 : i32
      "tpu.region"() ({
        %run_scoped3A_181 = tpu.sem_alloc : memref<!tpu.dma_semaphore, #tpu.memory_space<semaphore_mem>>
        %dma_start3A_182 = arith.constant 0 : i32
        %dma_start3A_183 = arith.constant 0 : i32
        %dma_start3A_184 = tpu.memref_slice %arg11[%run_scoped3A_175, %dma_start3A_182, %dma_start3A_183] : memref<6x256x16xf32, #tpu.memory_space<vmem>> -> memref<1x256x16xf32, #tpu.memory_space<vmem>>
        %dma_start3A_185 = tpu.memref_squeeze %dma_start3A_184 : memref<1x256x16xf32, #tpu.memory_space<vmem>> -> memref<256x16xf32, #tpu.memory_space<vmem>>
        %dma_start3A_186 = arith.constant 16 : i32
        %dma_start3A_187 = tpu.memref_slice %arg9[%select_n3A, %sub3A_32, %dma_start3A_186] : memref<200x1024x128xf32, #tpu.memory_space<hbm>> -> memref<1x256x16xf32, #tpu.memory_space<hbm>>
        %dma_start3A_188 = tpu.memref_squeeze %dma_start3A_187 : memref<1x256x16xf32, #tpu.memory_space<hbm>> -> memref<256x16xf32, #tpu.memory_space<hbm>>
        %dma_start3A_189 = arith.constant 16 : i32
        %dma_start3A_190 = tpu.memref_slice %arg9[%select_n3A, %sub3A_32, %dma_start3A_189] : memref<200x1024x128xf32, #tpu.memory_space<hbm>> -> memref<1x256x16xf32, #tpu.memory_space<hbm>>
        %dma_start3A_191 = tpu.memref_squeeze %dma_start3A_190 : memref<1x256x16xf32, #tpu.memory_space<hbm>> -> memref<256x16xf32, #tpu.memory_space<hbm>>
        %dma_start3A_192 = arith.constant 0 : i32
        %dma_start3A_193 = arith.constant 0 : i32
        %dma_start3A_194 = tpu.memref_slice %arg11[%run_scoped3A_175, %dma_start3A_192, %dma_start3A_193] : memref<6x256x16xf32, #tpu.memory_space<vmem>> -> memref<1x256x16xf32, #tpu.memory_space<vmem>>
        %dma_start3A_195 = tpu.memref_squeeze %dma_start3A_194 : memref<1x256x16xf32, #tpu.memory_space<vmem>> -> memref<256x16xf32, #tpu.memory_space<vmem>>
        tpu.enqueue_dma source(%dma_start3A_195 : memref<256x16xf32, #tpu.memory_space<vmem>>) target(%dma_start3A_191 : memref<256x16xf32, #tpu.memory_space<hbm>>) target_semaphore(%run_scoped3A_181 : memref<!tpu.dma_semaphore, #tpu.memory_space<semaphore_mem>>)
        %dma_wait3A_196 = arith.constant 0 : i32
        %dma_wait3A_197 = arith.constant 0 : i32
        %dma_wait3A_198 = tpu.memref_slice %arg11[%run_scoped3A_175, %dma_wait3A_196, %dma_wait3A_197] : memref<6x256x16xf32, #tpu.memory_space<vmem>> -> memref<1x256x16xf32, #tpu.memory_space<vmem>>
        %dma_wait3A_199 = tpu.memref_squeeze %dma_wait3A_198 : memref<1x256x16xf32, #tpu.memory_space<vmem>> -> memref<256x16xf32, #tpu.memory_space<vmem>>
        %dma_wait3A_200 = arith.constant 16 : i32
        %dma_wait3A_201 = tpu.memref_slice %arg9[%select_n3A, %sub3A_32, %dma_wait3A_200] : memref<200x1024x128xf32, #tpu.memory_space<hbm>> -> memref<1x256x16xf32, #tpu.memory_space<hbm>>
        %dma_wait3A_202 = tpu.memref_squeeze %dma_wait3A_201 : memref<1x256x16xf32, #tpu.memory_space<hbm>> -> memref<256x16xf32, #tpu.memory_space<hbm>>
        %dma_wait3A_203 = arith.constant 16 : i32
        %dma_wait3A_204 = tpu.memref_slice %arg9[%select_n3A, %sub3A_32, %dma_wait3A_203] : memref<200x1024x128xf32, #tpu.memory_space<hbm>> -> memref<1x256x16xf32, #tpu.memory_space<hbm>>
        %dma_wait3A_205 = tpu.memref_squeeze %dma_wait3A_204 : memref<1x256x16xf32, #tpu.memory_space<hbm>> -> memref<256x16xf32, #tpu.memory_space<hbm>>
        %dma_wait3A_206 = arith.constant 0 : i32
        %dma_wait3A_207 = arith.constant 0 : i32
        %dma_wait3A_208 = tpu.memref_slice %arg11[%run_scoped3A_175, %dma_wait3A_206, %dma_wait3A_207] : memref<6x256x16xf32, #tpu.memory_space<vmem>> -> memref<1x256x16xf32, #tpu.memory_space<vmem>>
        %dma_wait3A_209 = tpu.memref_squeeze %dma_wait3A_208 : memref<1x256x16xf32, #tpu.memory_space<vmem>> -> memref<256x16xf32, #tpu.memory_space<vmem>>
        tpu.wait_dma2 semaphore(%run_scoped3A_181 : memref<!tpu.dma_semaphore, #tpu.memory_space<semaphore_mem>>) src(%dma_wait3A_209 : memref<256x16xf32, #tpu.memory_space<vmem>>) dst(%dma_wait3A_205 : memref<256x16xf32, #tpu.memory_space<hbm>>)
        tpu.yield
      }) : () -> ()
      %run_scoped3A_176 = arith.constant 2 : i32
      "tpu.region"() ({
        %run_scoped3A_181 = tpu.sem_alloc : memref<!tpu.dma_semaphore, #tpu.memory_space<semaphore_mem>>
        %dma_start3A_182 = arith.constant 0 : i32
        %dma_start3A_183 = arith.constant 0 : i32
        %dma_start3A_184 = tpu.memref_slice %arg11[%run_scoped3A_176, %dma_start3A_182, %dma_start3A_183] : memref<6x256x16xf32, #tpu.memory_space<vmem>> -> memref<1x256x16xf32, #tpu.memory_space<vmem>>
        %dma_start3A_185 = tpu.memref_squeeze %dma_start3A_184 : memref<1x256x16xf32, #tpu.memory_space<vmem>> -> memref<256x16xf32, #tpu.memory_space<vmem>>
        %dma_start3A_186 = arith.constant 32 : i32
        %dma_start3A_187 = tpu.memref_slice %arg9[%select_n3A, %sub3A_32, %dma_start3A_186] : memref<200x1024x128xf32, #tpu.memory_space<hbm>> -> memref<1x256x16xf32, #tpu.memory_space<hbm>>
        %dma_start3A_188 = tpu.memref_squeeze %dma_start3A_187 : memref<1x256x16xf32, #tpu.memory_space<hbm>> -> memref<256x16xf32, #tpu.memory_space<hbm>>
        %dma_start3A_189 = arith.constant 32 : i32
        %dma_start3A_190 = tpu.memref_slice %arg9[%select_n3A, %sub3A_32, %dma_start3A_189] : memref<200x1024x128xf32, #tpu.memory_space<hbm>> -> memref<1x256x16xf32, #tpu.memory_space<hbm>>
        %dma_start3A_191 = tpu.memref_squeeze %dma_start3A_190 : memref<1x256x16xf32, #tpu.memory_space<hbm>> -> memref<256x16xf32, #tpu.memory_space<hbm>>
        %dma_start3A_192 = arith.constant 0 : i32
        %dma_start3A_193 = arith.constant 0 : i32
        %dma_start3A_194 = tpu.memref_slice %arg11[%run_scoped3A_176, %dma_start3A_192, %dma_start3A_193] : memref<6x256x16xf32, #tpu.memory_space<vmem>> -> memref<1x256x16xf32, #tpu.memory_space<vmem>>
        %dma_start3A_195 = tpu.memref_squeeze %dma_start3A_194 : memref<1x256x16xf32, #tpu.memory_space<vmem>> -> memref<256x16xf32, #tpu.memory_space<vmem>>
        tpu.enqueue_dma source(%dma_start3A_195 : memref<256x16xf32, #tpu.memory_space<vmem>>) target(%dma_start3A_191 : memref<256x16xf32, #tpu.memory_space<hbm>>) target_semaphore(%run_scoped3A_181 : memref<!tpu.dma_semaphore, #tpu.memory_space<semaphore_mem>>)
        %dma_wait3A_196 = arith.constant 0 : i32
        %dma_wait3A_197 = arith.constant 0 : i32
        %dma_wait3A_198 = tpu.memref_slice %arg11[%run_scoped3A_176, %dma_wait3A_196, %dma_wait3A_197] : memref<6x256x16xf32, #tpu.memory_space<vmem>> -> memref<1x256x16xf32, #tpu.memory_space<vmem>>
        %dma_wait3A_199 = tpu.memref_squeeze %dma_wait3A_198 : memref<1x256x16xf32, #tpu.memory_space<vmem>> -> memref<256x16xf32, #tpu.memory_space<vmem>>
        %dma_wait3A_200 = arith.constant 32 : i32
        %dma_wait3A_201 = tpu.memref_slice %arg9[%select_n3A, %sub3A_32, %dma_wait3A_200] : memref<200x1024x128xf32, #tpu.memory_space<hbm>> -> memref<1x256x16xf32, #tpu.memory_space<hbm>>
        %dma_wait3A_202 = tpu.memref_squeeze %dma_wait3A_201 : memref<1x256x16xf32, #tpu.memory_space<hbm>> -> memref<256x16xf32, #tpu.memory_space<hbm>>
        %dma_wait3A_203 = arith.constant 32 : i32
        %dma_wait3A_204 = tpu.memref_slice %arg9[%select_n3A, %sub3A_32, %dma_wait3A_203] : memref<200x1024x128xf32, #tpu.memory_space<hbm>> -> memref<1x256x16xf32, #tpu.memory_space<hbm>>
        %dma_wait3A_205 = tpu.memref_squeeze %dma_wait3A_204 : memref<1x256x16xf32, #tpu.memory_space<hbm>> -> memref<256x16xf32, #tpu.memory_space<hbm>>
        %dma_wait3A_206 = arith.constant 0 : i32
        %dma_wait3A_207 = arith.constant 0 : i32
        %dma_wait3A_208 = tpu.memref_slice %arg11[%run_scoped3A_176, %dma_wait3A_206, %dma_wait3A_207] : memref<6x256x16xf32, #tpu.memory_space<vmem>> -> memref<1x256x16xf32, #tpu.memory_space<vmem>>
        %dma_wait3A_209 = tpu.memref_squeeze %dma_wait3A_208 : memref<1x256x16xf32, #tpu.memory_space<vmem>> -> memref<256x16xf32, #tpu.memory_space<vmem>>
        tpu.wait_dma2 semaphore(%run_scoped3A_181 : memref<!tpu.dma_semaphore, #tpu.memory_space<semaphore_mem>>) src(%dma_wait3A_209 : memref<256x16xf32, #tpu.memory_space<vmem>>) dst(%dma_wait3A_205 : memref<256x16xf32, #tpu.memory_space<hbm>>)
        tpu.yield
      }) : () -> ()
      %run_scoped3A_177 = arith.constant 3 : i32
      "tpu.region"() ({
        %run_scoped3A_181 = tpu.sem_alloc : memref<!tpu.dma_semaphore, #tpu.memory_space<semaphore_mem>>
        %dma_start3A_182 = arith.constant 0 : i32
        %dma_start3A_183 = arith.constant 0 : i32
        %dma_start3A_184 = tpu.memref_slice %arg11[%run_scoped3A_177, %dma_start3A_182, %dma_start3A_183] : memref<6x256x16xf32, #tpu.memory_space<vmem>> -> memref<1x256x16xf32, #tpu.memory_space<vmem>>
        %dma_start3A_185 = tpu.memref_squeeze %dma_start3A_184 : memref<1x256x16xf32, #tpu.memory_space<vmem>> -> memref<256x16xf32, #tpu.memory_space<vmem>>
        %dma_start3A_186 = arith.constant 48 : i32
        %dma_start3A_187 = tpu.memref_slice %arg9[%select_n3A, %sub3A_32, %dma_start3A_186] : memref<200x1024x128xf32, #tpu.memory_space<hbm>> -> memref<1x256x16xf32, #tpu.memory_space<hbm>>
        %dma_start3A_188 = tpu.memref_squeeze %dma_start3A_187 : memref<1x256x16xf32, #tpu.memory_space<hbm>> -> memref<256x16xf32, #tpu.memory_space<hbm>>
        %dma_start3A_189 = arith.constant 48 : i32
        %dma_start3A_190 = tpu.memref_slice %arg9[%select_n3A, %sub3A_32, %dma_start3A_189] : memref<200x1024x128xf32, #tpu.memory_space<hbm>> -> memref<1x256x16xf32, #tpu.memory_space<hbm>>
        %dma_start3A_191 = tpu.memref_squeeze %dma_start3A_190 : memref<1x256x16xf32, #tpu.memory_space<hbm>> -> memref<256x16xf32, #tpu.memory_space<hbm>>
        %dma_start3A_192 = arith.constant 0 : i32
        %dma_start3A_193 = arith.constant 0 : i32
        %dma_start3A_194 = tpu.memref_slice %arg11[%run_scoped3A_177, %dma_start3A_192, %dma_start3A_193] : memref<6x256x16xf32, #tpu.memory_space<vmem>> -> memref<1x256x16xf32, #tpu.memory_space<vmem>>
        %dma_start3A_195 = tpu.memref_squeeze %dma_start3A_194 : memref<1x256x16xf32, #tpu.memory_space<vmem>> -> memref<256x16xf32, #tpu.memory_space<vmem>>
        tpu.enqueue_dma source(%dma_start3A_195 : memref<256x16xf32, #tpu.memory_space<vmem>>) target(%dma_start3A_191 : memref<256x16xf32, #tpu.memory_space<hbm>>) target_semaphore(%run_scoped3A_181 : memref<!tpu.dma_semaphore, #tpu.memory_space<semaphore_mem>>)
        %dma_wait3A_196 = arith.constant 0 : i32
        %dma_wait3A_197 = arith.constant 0 : i32
        %dma_wait3A_198 = tpu.memref_slice %arg11[%run_scoped3A_177, %dma_wait3A_196, %dma_wait3A_197] : memref<6x256x16xf32, #tpu.memory_space<vmem>> -> memref<1x256x16xf32, #tpu.memory_space<vmem>>
        %dma_wait3A_199 = tpu.memref_squeeze %dma_wait3A_198 : memref<1x256x16xf32, #tpu.memory_space<vmem>> -> memref<256x16xf32, #tpu.memory_space<vmem>>
        %dma_wait3A_200 = arith.constant 48 : i32
        %dma_wait3A_201 = tpu.memref_slice %arg9[%select_n3A, %sub3A_32, %dma_wait3A_200] : memref<200x1024x128xf32, #tpu.memory_space<hbm>> -> memref<1x256x16xf32, #tpu.memory_space<hbm>>
        %dma_wait3A_202 = tpu.memref_squeeze %dma_wait3A_201 : memref<1x256x16xf32, #tpu.memory_space<hbm>> -> memref<256x16xf32, #tpu.memory_space<hbm>>
        %dma_wait3A_203 = arith.constant 48 : i32
        %dma_wait3A_204 = tpu.memref_slice %arg9[%select_n3A, %sub3A_32, %dma_wait3A_203] : memref<200x1024x128xf32, #tpu.memory_space<hbm>> -> memref<1x256x16xf32, #tpu.memory_space<hbm>>
        %dma_wait3A_205 = tpu.memref_squeeze %dma_wait3A_204 : memref<1x256x16xf32, #tpu.memory_space<hbm>> -> memref<256x16xf32, #tpu.memory_space<hbm>>
        %dma_wait3A_206 = arith.constant 0 : i32
        %dma_wait3A_207 = arith.constant 0 : i32
        %dma_wait3A_208 = tpu.memref_slice %arg11[%run_scoped3A_177, %dma_wait3A_206, %dma_wait3A_207] : memref<6x256x16xf32, #tpu.memory_space<vmem>> -> memref<1x256x16xf32, #tpu.memory_space<vmem>>
        %dma_wait3A_209 = tpu.memref_squeeze %dma_wait3A_208 : memref<1x256x16xf32, #tpu.memory_space<vmem>> -> memref<256x16xf32, #tpu.memory_space<vmem>>
        tpu.wait_dma2 semaphore(%run_scoped3A_181 : memref<!tpu.dma_semaphore, #tpu.memory_space<semaphore_mem>>) src(%dma_wait3A_209 : memref<256x16xf32, #tpu.memory_space<vmem>>) dst(%dma_wait3A_205 : memref<256x16xf32, #tpu.memory_space<hbm>>)
        tpu.yield
      }) : () -> ()
      %run_scoped3A_178 = arith.constant 4 : i32
      "tpu.region"() ({
        %run_scoped3A_181 = tpu.sem_alloc : memref<!tpu.dma_semaphore, #tpu.memory_space<semaphore_mem>>
        %dma_start3A_182 = arith.constant 0 : i32
        %dma_start3A_183 = arith.constant 0 : i32
        %dma_start3A_184 = tpu.memref_slice %arg11[%run_scoped3A_178, %dma_start3A_182, %dma_start3A_183] : memref<6x256x16xf32, #tpu.memory_space<vmem>> -> memref<1x256x16xf32, #tpu.memory_space<vmem>>
        %dma_start3A_185 = tpu.memref_squeeze %dma_start3A_184 : memref<1x256x16xf32, #tpu.memory_space<vmem>> -> memref<256x16xf32, #tpu.memory_space<vmem>>
        %dma_start3A_186 = arith.constant 64 : i32
        %dma_start3A_187 = tpu.memref_slice %arg9[%select_n3A, %sub3A_32, %dma_start3A_186] : memref<200x1024x128xf32, #tpu.memory_space<hbm>> -> memref<1x256x16xf32, #tpu.memory_space<hbm>>
        %dma_start3A_188 = tpu.memref_squeeze %dma_start3A_187 : memref<1x256x16xf32, #tpu.memory_space<hbm>> -> memref<256x16xf32, #tpu.memory_space<hbm>>
        %dma_start3A_189 = arith.constant 64 : i32
        %dma_start3A_190 = tpu.memref_slice %arg9[%select_n3A, %sub3A_32, %dma_start3A_189] : memref<200x1024x128xf32, #tpu.memory_space<hbm>> -> memref<1x256x16xf32, #tpu.memory_space<hbm>>
        %dma_start3A_191 = tpu.memref_squeeze %dma_start3A_190 : memref<1x256x16xf32, #tpu.memory_space<hbm>> -> memref<256x16xf32, #tpu.memory_space<hbm>>
        %dma_start3A_192 = arith.constant 0 : i32
        %dma_start3A_193 = arith.constant 0 : i32
        %dma_start3A_194 = tpu.memref_slice %arg11[%run_scoped3A_178, %dma_start3A_192, %dma_start3A_193] : memref<6x256x16xf32, #tpu.memory_space<vmem>> -> memref<1x256x16xf32, #tpu.memory_space<vmem>>
        %dma_start3A_195 = tpu.memref_squeeze %dma_start3A_194 : memref<1x256x16xf32, #tpu.memory_space<vmem>> -> memref<256x16xf32, #tpu.memory_space<vmem>>
        tpu.enqueue_dma source(%dma_start3A_195 : memref<256x16xf32, #tpu.memory_space<vmem>>) target(%dma_start3A_191 : memref<256x16xf32, #tpu.memory_space<hbm>>) target_semaphore(%run_scoped3A_181 : memref<!tpu.dma_semaphore, #tpu.memory_space<semaphore_mem>>)
        %dma_wait3A_196 = arith.constant 0 : i32
        %dma_wait3A_197 = arith.constant 0 : i32
        %dma_wait3A_198 = tpu.memref_slice %arg11[%run_scoped3A_178, %dma_wait3A_196, %dma_wait3A_197] : memref<6x256x16xf32, #tpu.memory_space<vmem>> -> memref<1x256x16xf32, #tpu.memory_space<vmem>>
        %dma_wait3A_199 = tpu.memref_squeeze %dma_wait3A_198 : memref<1x256x16xf32, #tpu.memory_space<vmem>> -> memref<256x16xf32, #tpu.memory_space<vmem>>
        %dma_wait3A_200 = arith.constant 64 : i32
        %dma_wait3A_201 = tpu.memref_slice %arg9[%select_n3A, %sub3A_32, %dma_wait3A_200] : memref<200x1024x128xf32, #tpu.memory_space<hbm>> -> memref<1x256x16xf32, #tpu.memory_space<hbm>>
        %dma_wait3A_202 = tpu.memref_squeeze %dma_wait3A_201 : memref<1x256x16xf32, #tpu.memory_space<hbm>> -> memref<256x16xf32, #tpu.memory_space<hbm>>
        %dma_wait3A_203 = arith.constant 64 : i32
        %dma_wait3A_204 = tpu.memref_slice %arg9[%select_n3A, %sub3A_32, %dma_wait3A_203] : memref<200x1024x128xf32, #tpu.memory_space<hbm>> -> memref<1x256x16xf32, #tpu.memory_space<hbm>>
        %dma_wait3A_205 = tpu.memref_squeeze %dma_wait3A_204 : memref<1x256x16xf32, #tpu.memory_space<hbm>> -> memref<256x16xf32, #tpu.memory_space<hbm>>
        %dma_wait3A_206 = arith.constant 0 : i32
        %dma_wait3A_207 = arith.constant 0 : i32
        %dma_wait3A_208 = tpu.memref_slice %arg11[%run_scoped3A_178, %dma_wait3A_206, %dma_wait3A_207] : memref<6x256x16xf32, #tpu.memory_space<vmem>> -> memref<1x256x16xf32, #tpu.memory_space<vmem>>
        %dma_wait3A_209 = tpu.memref_squeeze %dma_wait3A_208 : memref<1x256x16xf32, #tpu.memory_space<vmem>> -> memref<256x16xf32, #tpu.memory_space<vmem>>
        tpu.wait_dma2 semaphore(%run_scoped3A_181 : memref<!tpu.dma_semaphore, #tpu.memory_space<semaphore_mem>>) src(%dma_wait3A_209 : memref<256x16xf32, #tpu.memory_space<vmem>>) dst(%dma_wait3A_205 : memref<256x16xf32, #tpu.memory_space<hbm>>)
        tpu.yield
      }) : () -> ()
      %run_scoped3A_179 = arith.constant 5 : i32
      "tpu.region"() ({
        %run_scoped3A_181 = tpu.sem_alloc : memref<!tpu.dma_semaphore, #tpu.memory_space<semaphore_mem>>
        %dma_start3A_182 = arith.constant 0 : i32
        %dma_start3A_183 = arith.constant 0 : i32
        %dma_start3A_184 = tpu.memref_slice %arg11[%run_scoped3A_179, %dma_start3A_182, %dma_start3A_183] : memref<6x256x16xf32, #tpu.memory_space<vmem>> -> memref<1x256x16xf32, #tpu.memory_space<vmem>>
        %dma_start3A_185 = tpu.memref_squeeze %dma_start3A_184 : memref<1x256x16xf32, #tpu.memory_space<vmem>> -> memref<256x16xf32, #tpu.memory_space<vmem>>
        %dma_start3A_186 = arith.constant 80 : i32
        %dma_start3A_187 = tpu.memref_slice %arg9[%select_n3A, %sub3A_32, %dma_start3A_186] : memref<200x1024x128xf32, #tpu.memory_space<hbm>> -> memref<1x256x16xf32, #tpu.memory_space<hbm>>
        %dma_start3A_188 = tpu.memref_squeeze %dma_start3A_187 : memref<1x256x16xf32, #tpu.memory_space<hbm>> -> memref<256x16xf32, #tpu.memory_space<hbm>>
        %dma_start3A_189 = arith.constant 80 : i32
        %dma_start3A_190 = tpu.memref_slice %arg9[%select_n3A, %sub3A_32, %dma_start3A_189] : memref<200x1024x128xf32, #tpu.memory_space<hbm>> -> memref<1x256x16xf32, #tpu.memory_space<hbm>>
        %dma_start3A_191 = tpu.memref_squeeze %dma_start3A_190 : memref<1x256x16xf32, #tpu.memory_space<hbm>> -> memref<256x16xf32, #tpu.memory_space<hbm>>
        %dma_start3A_192 = arith.constant 0 : i32
        %dma_start3A_193 = arith.constant 0 : i32
        %dma_start3A_194 = tpu.memref_slice %arg11[%run_scoped3A_179, %dma_start3A_192, %dma_start3A_193] : memref<6x256x16xf32, #tpu.memory_space<vmem>> -> memref<1x256x16xf32, #tpu.memory_space<vmem>>
        %dma_start3A_195 = tpu.memref_squeeze %dma_start3A_194 : memref<1x256x16xf32, #tpu.memory_space<vmem>> -> memref<256x16xf32, #tpu.memory_space<vmem>>
        tpu.enqueue_dma source(%dma_start3A_195 : memref<256x16xf32, #tpu.memory_space<vmem>>) target(%dma_start3A_191 : memref<256x16xf32, #tpu.memory_space<hbm>>) target_semaphore(%run_scoped3A_181 : memref<!tpu.dma_semaphore, #tpu.memory_space<semaphore_mem>>)
        %dma_wait3A_196 = arith.constant 0 : i32
        %dma_wait3A_197 = arith.constant 0 : i32
        %dma_wait3A_198 = tpu.memref_slice %arg11[%run_scoped3A_179, %dma_wait3A_196, %dma_wait3A_197] : memref<6x256x16xf32, #tpu.memory_space<vmem>> -> memref<1x256x16xf32, #tpu.memory_space<vmem>>
        %dma_wait3A_199 = tpu.memref_squeeze %dma_wait3A_198 : memref<1x256x16xf32, #tpu.memory_space<vmem>> -> memref<256x16xf32, #tpu.memory_space<vmem>>
        %dma_wait3A_200 = arith.constant 80 : i32
        %dma_wait3A_201 = tpu.memref_slice %arg9[%select_n3A, %sub3A_32, %dma_wait3A_200] : memref<200x1024x128xf32, #tpu.memory_space<hbm>> -> memref<1x256x16xf32, #tpu.memory_space<hbm>>
        %dma_wait3A_202 = tpu.memref_squeeze %dma_wait3A_201 : memref<1x256x16xf32, #tpu.memory_space<hbm>> -> memref<256x16xf32, #tpu.memory_space<hbm>>
        %dma_wait3A_203 = arith.constant 80 : i32
        %dma_wait3A_204 = tpu.memref_slice %arg9[%select_n3A, %sub3A_32, %dma_wait3A_203] : memref<200x1024x128xf32, #tpu.memory_space<hbm>> -> memref<1x256x16xf32, #tpu.memory_space<hbm>>
        %dma_wait3A_205 = tpu.memref_squeeze %dma_wait3A_204 : memref<1x256x16xf32, #tpu.memory_space<hbm>> -> memref<256x16xf32, #tpu.memory_space<hbm>>
        %dma_wait3A_206 = arith.constant 0 : i32
        %dma_wait3A_207 = arith.constant 0 : i32
        %dma_wait3A_208 = tpu.memref_slice %arg11[%run_scoped3A_179, %dma_wait3A_206, %dma_wait3A_207] : memref<6x256x16xf32, #tpu.memory_space<vmem>> -> memref<1x256x16xf32, #tpu.memory_space<vmem>>
        %dma_wait3A_209 = tpu.memref_squeeze %dma_wait3A_208 : memref<1x256x16xf32, #tpu.memory_space<vmem>> -> memref<256x16xf32, #tpu.memory_space<vmem>>
        tpu.wait_dma2 semaphore(%run_scoped3A_181 : memref<!tpu.dma_semaphore, #tpu.memory_space<semaphore_mem>>) src(%dma_wait3A_209 : memref<256x16xf32, #tpu.memory_space<vmem>>) dst(%dma_wait3A_205 : memref<256x16xf32, #tpu.memory_space<hbm>>)
        tpu.yield
      }) : () -> ()
      %scan3A_180 = arith.constant 0 : i32
      scf.yield %scan3A_180 : i32
    }
    %scan3A_8 = arith.constant 25 : i32
    return
  }
}

module attributes {stable_mosaic.version = 14 : i64} {
  func.func @body(%arg0: i32, %arg1: memref<125x8x1024xf32, #tpu.memory_space<vmem>>, %arg2: memref<125x64xf32, #tpu.memory_space<vmem>>, %arg3: memref<64x1xf32, #tpu.memory_space<vmem>>, %arg4: memref<8x1024x128xf32, #tpu.memory_space<vmem>>, %arg5: memref<8x160x1024xf32, #tpu.memory_space<vmem>>) attributes {dimension_semantics = [#tpu.dimension_semantics<arbitrary>], iteration_bounds = array<i64: 25>, scalar_prefetch = 0 : i64, scratch_operands = 0 : i64, tpu.core_type = #tpu.core_type<tc>, window_params = [{transform_indices = @transform_0, window_bounds = array<i64: 125, 8, 1024>}, {pipeline_mode = #tpu.pipeline_mode<synchronous>, transform_indices = @transform_1, window_bounds = array<i64: 125, 64>}, {pipeline_mode = #tpu.pipeline_mode<synchronous>, transform_indices = @transform_2, window_bounds = array<i64: 64, 1>}, {transform_indices = @transform_3, window_bounds = array<i64: 8, 1024, 128>}, {transform_indices = @transform_4, window_bounds = array<i64: 8, 160, 1024>}]} {
    %get3A = arith.constant 0 : index
    %get3A_0 = arith.constant 0 : index
    %get3A_1 = arith.constant 0 : index
    %get3A_2 = vector.load %arg1[%get3A, %get3A_0, %get3A_1] : memref<125x8x1024xf32, #tpu.memory_space<vmem>>, vector<125x8x1024xf32>
    %reshape3A = vector.shape_cast %get3A_2 : vector<125x8x1024xf32> to vector<125x8192xf32>
    %get3A_3 = arith.constant 0 : index
    %get3A_4 = arith.constant 0 : index
    %get3A_5 = vector.load %arg2[%get3A_3, %get3A_4] : memref<125x64xf32, #tpu.memory_space<vmem>>, vector<125x64xf32>
    %dot_general3A = arith.constant dense<0.000000e+00> : vector<64x8192xf32>
    %dot_general3A_6 = tpu.matmul %get3A_5, %reshape3A, %dot_general3A {dimension_numbers = #tpu.dot_dimension_numbers<[0], [0], [1], [1], [0, 1, 1, 1], [], []>, transpose_lhs_hint = false} : vector<125x64xf32>, vector<125x8192xf32>, vector<64x8192xf32> -> vector<64x8192xf32>
    %get3A_7 = arith.constant 0 : index
    %get3A_8 = arith.constant 0 : index
    %get3A_9 = vector.load %arg3[%get3A_7, %get3A_8] : memref<64x1xf32, #tpu.memory_space<vmem>>, vector<64x1xf32>
    %add3A = vector.broadcast %get3A_9 : vector<64x1xf32> to vector<64x8192xf32>
    %add3A_10 = arith.addf %dot_general3A_6, %add3A : vector<64x8192xf32>
    %slice3A = vector.extract_strided_slice %add3A_10 {offsets = [0, 0], sizes = [64, 1024], strides = [1, 1]} : vector<64x8192xf32> to vector<64x1024xf32>
    %swap3A = arith.constant 0 : index
    %swap3A_11 = arith.constant 0 : index
    %swap3A_12 = arith.constant 0 : index
    %swap3A_13 = vector.load %arg5[%swap3A, %swap3A_11, %swap3A_12] : memref<8x160x1024xf32, #tpu.memory_space<vmem>>, vector<1x64x1024xf32>
    %swap3A_14 = vector.shape_cast %swap3A_13 : vector<1x64x1024xf32> to vector<64x1024xf32>
    %swap3A_15 = vector.shape_cast %slice3A : vector<64x1024xf32> to vector<1x64x1024xf32>
    tpu.vector_store %arg5[%swap3A, %swap3A_11, %swap3A_12], %swap3A_15 {strides = array<i32>} : memref<8x160x1024xf32, #tpu.memory_space<vmem>>, vector<1x64x1024xf32>,
    %get3A_16 = arith.constant 0 : index
    %get3A_17 = arith.constant 0 : index
    %get3A_18 = arith.constant 0 : index
    %get3A_19 = vector.load %arg4[%get3A_16, %get3A_17, %get3A_18] : memref<8x1024x128xf32, #tpu.memory_space<vmem>>, vector<1x1024x96xf32>
    %get3A_20 = vector.shape_cast %get3A_19 : vector<1x1024x96xf32> to vector<1024x96xf32>
    %transpose3A = tpu.transpose %get3A_20, [1, 0] : vector<1024x96xf32> -> vector<96x1024xf32>
    %swap3A_21 = arith.constant 0 : index
    %swap3A_22 = arith.constant 64 : index
    %swap3A_23 = arith.constant 0 : index
    %swap3A_24 = vector.load %arg5[%swap3A_21, %swap3A_22, %swap3A_23] : memref<8x160x1024xf32, #tpu.memory_space<vmem>>, vector<1x96x1024xf32>
    %swap3A_25 = vector.shape_cast %swap3A_24 : vector<1x96x1024xf32> to vector<96x1024xf32>
    %swap3A_26 = vector.shape_cast %transpose3A : vector<96x1024xf32> to vector<1x96x1024xf32>
    tpu.vector_store %arg5[%swap3A_21, %swap3A_22, %swap3A_23], %swap3A_26 {strides = array<i32>} : memref<8x160x1024xf32, #tpu.memory_space<vmem>>, vector<1x96x1024xf32>,
    %slice3A_27 = vector.extract_strided_slice %add3A_10 {offsets = [0, 1024], sizes = [64, 1024], strides = [1, 1]} : vector<64x8192xf32> to vector<64x1024xf32>
    %swap3A_28 = arith.constant 1 : index
    %swap3A_29 = arith.constant 0 : index
    %swap3A_30 = arith.constant 0 : index
    %swap3A_31 = vector.load %arg5[%swap3A_28, %swap3A_29, %swap3A_30] : memref<8x160x1024xf32, #tpu.memory_space<vmem>>, vector<1x64x1024xf32>
    %swap3A_32 = vector.shape_cast %swap3A_31 : vector<1x64x1024xf32> to vector<64x1024xf32>
    %swap3A_33 = vector.shape_cast %slice3A_27 : vector<64x1024xf32> to vector<1x64x1024xf32>
    tpu.vector_store %arg5[%swap3A_28, %swap3A_29, %swap3A_30], %swap3A_33 {strides = array<i32>} : memref<8x160x1024xf32, #tpu.memory_space<vmem>>, vector<1x64x1024xf32>,
    %get3A_34 = arith.constant 1 : index
    %get3A_35 = arith.constant 0 : index
    %get3A_36 = arith.constant 0 : index
    %get3A_37 = vector.load %arg4[%get3A_34, %get3A_35, %get3A_36] : memref<8x1024x128xf32, #tpu.memory_space<vmem>>, vector<1x1024x96xf32>
    %get3A_38 = vector.shape_cast %get3A_37 : vector<1x1024x96xf32> to vector<1024x96xf32>
    %transpose3A_39 = tpu.transpose %get3A_38, [1, 0] : vector<1024x96xf32> -> vector<96x1024xf32>
    %swap3A_40 = arith.constant 1 : index
    %swap3A_41 = arith.constant 64 : index
    %swap3A_42 = arith.constant 0 : index
    %swap3A_43 = vector.load %arg5[%swap3A_40, %swap3A_41, %swap3A_42] : memref<8x160x1024xf32, #tpu.memory_space<vmem>>, vector<1x96x1024xf32>
    %swap3A_44 = vector.shape_cast %swap3A_43 : vector<1x96x1024xf32> to vector<96x1024xf32>
    %swap3A_45 = vector.shape_cast %transpose3A_39 : vector<96x1024xf32> to vector<1x96x1024xf32>
    tpu.vector_store %arg5[%swap3A_40, %swap3A_41, %swap3A_42], %swap3A_45 {strides = array<i32>} : memref<8x160x1024xf32, #tpu.memory_space<vmem>>, vector<1x96x1024xf32>,
    %slice3A_46 = vector.extract_strided_slice %add3A_10 {offsets = [0, 2048], sizes = [64, 1024], strides = [1, 1]} : vector<64x8192xf32> to vector<64x1024xf32>
    %swap3A_47 = arith.constant 2 : index
    %swap3A_48 = arith.constant 0 : index
    %swap3A_49 = arith.constant 0 : index
    %swap3A_50 = vector.load %arg5[%swap3A_47, %swap3A_48, %swap3A_49] : memref<8x160x1024xf32, #tpu.memory_space<vmem>>, vector<1x64x1024xf32>
    %swap3A_51 = vector.shape_cast %swap3A_50 : vector<1x64x1024xf32> to vector<64x1024xf32>
    %swap3A_52 = vector.shape_cast %slice3A_46 : vector<64x1024xf32> to vector<1x64x1024xf32>
    tpu.vector_store %arg5[%swap3A_47, %swap3A_48, %swap3A_49], %swap3A_52 {strides = array<i32>} : memref<8x160x1024xf32, #tpu.memory_space<vmem>>, vector<1x64x1024xf32>,
    %get3A_53 = arith.constant 2 : index
    %get3A_54 = arith.constant 0 : index
    %get3A_55 = arith.constant 0 : index
    %get3A_56 = vector.load %arg4[%get3A_53, %get3A_54, %get3A_55] : memref<8x1024x128xf32, #tpu.memory_space<vmem>>, vector<1x1024x96xf32>
    %get3A_57 = vector.shape_cast %get3A_56 : vector<1x1024x96xf32> to vector<1024x96xf32>
    %transpose3A_58 = tpu.transpose %get3A_57, [1, 0] : vector<1024x96xf32> -> vector<96x1024xf32>
    %swap3A_59 = arith.constant 2 : index
    %swap3A_60 = arith.constant 64 : index
    %swap3A_61 = arith.constant 0 : index
    %swap3A_62 = vector.load %arg5[%swap3A_59, %swap3A_60, %swap3A_61] : memref<8x160x1024xf32, #tpu.memory_space<vmem>>, vector<1x96x1024xf32>
    %swap3A_63 = vector.shape_cast %swap3A_62 : vector<1x96x1024xf32> to vector<96x1024xf32>
    %swap3A_64 = vector.shape_cast %transpose3A_58 : vector<96x1024xf32> to vector<1x96x1024xf32>
    tpu.vector_store %arg5[%swap3A_59, %swap3A_60, %swap3A_61], %swap3A_64 {strides = array<i32>} : memref<8x160x1024xf32, #tpu.memory_space<vmem>>, vector<1x96x1024xf32>,
    %slice3A_65 = vector.extract_strided_slice %add3A_10 {offsets = [0, 3072], sizes = [64, 1024], strides = [1, 1]} : vector<64x8192xf32> to vector<64x1024xf32>
    %swap3A_66 = arith.constant 3 : index
    %swap3A_67 = arith.constant 0 : index
    %swap3A_68 = arith.constant 0 : index
    %swap3A_69 = vector.load %arg5[%swap3A_66, %swap3A_67, %swap3A_68] : memref<8x160x1024xf32, #tpu.memory_space<vmem>>, vector<1x64x1024xf32>
    %swap3A_70 = vector.shape_cast %swap3A_69 : vector<1x64x1024xf32> to vector<64x1024xf32>
    %swap3A_71 = vector.shape_cast %slice3A_65 : vector<64x1024xf32> to vector<1x64x1024xf32>
    tpu.vector_store %arg5[%swap3A_66, %swap3A_67, %swap3A_68], %swap3A_71 {strides = array<i32>} : memref<8x160x1024xf32, #tpu.memory_space<vmem>>, vector<1x64x1024xf32>,
    %get3A_72 = arith.constant 3 : index
    %get3A_73 = arith.constant 0 : index
    %get3A_74 = arith.constant 0 : index
    %get3A_75 = vector.load %arg4[%get3A_72, %get3A_73, %get3A_74] : memref<8x1024x128xf32, #tpu.memory_space<vmem>>, vector<1x1024x96xf32>
    %get3A_76 = vector.shape_cast %get3A_75 : vector<1x1024x96xf32> to vector<1024x96xf32>
    %transpose3A_77 = tpu.transpose %get3A_76, [1, 0] : vector<1024x96xf32> -> vector<96x1024xf32>
    %swap3A_78 = arith.constant 3 : index
    %swap3A_79 = arith.constant 64 : index
    %swap3A_80 = arith.constant 0 : index
    %swap3A_81 = vector.load %arg5[%swap3A_78, %swap3A_79, %swap3A_80] : memref<8x160x1024xf32, #tpu.memory_space<vmem>>, vector<1x96x1024xf32>
    %swap3A_82 = vector.shape_cast %swap3A_81 : vector<1x96x1024xf32> to vector<96x1024xf32>
    %swap3A_83 = vector.shape_cast %transpose3A_77 : vector<96x1024xf32> to vector<1x96x1024xf32>
    tpu.vector_store %arg5[%swap3A_78, %swap3A_79, %swap3A_80], %swap3A_83 {strides = array<i32>} : memref<8x160x1024xf32, #tpu.memory_space<vmem>>, vector<1x96x1024xf32>,
    %slice3A_84 = vector.extract_strided_slice %add3A_10 {offsets = [0, 4096], sizes = [64, 1024], strides = [1, 1]} : vector<64x8192xf32> to vector<64x1024xf32>
    %swap3A_85 = arith.constant 4 : index
    %swap3A_86 = arith.constant 0 : index
    %swap3A_87 = arith.constant 0 : index
    %swap3A_88 = vector.load %arg5[%swap3A_85, %swap3A_86, %swap3A_87] : memref<8x160x1024xf32, #tpu.memory_space<vmem>>, vector<1x64x1024xf32>
    %swap3A_89 = vector.shape_cast %swap3A_88 : vector<1x64x1024xf32> to vector<64x1024xf32>
    %swap3A_90 = vector.shape_cast %slice3A_84 : vector<64x1024xf32> to vector<1x64x1024xf32>
    tpu.vector_store %arg5[%swap3A_85, %swap3A_86, %swap3A_87], %swap3A_90 {strides = array<i32>} : memref<8x160x1024xf32, #tpu.memory_space<vmem>>, vector<1x64x1024xf32>,
    %get3A_91 = arith.constant 4 : index
    %get3A_92 = arith.constant 0 : index
    %get3A_93 = arith.constant 0 : index
    %get3A_94 = vector.load %arg4[%get3A_91, %get3A_92, %get3A_93] : memref<8x1024x128xf32, #tpu.memory_space<vmem>>, vector<1x1024x96xf32>
    %get3A_95 = vector.shape_cast %get3A_94 : vector<1x1024x96xf32> to vector<1024x96xf32>
    %transpose3A_96 = tpu.transpose %get3A_95, [1, 0] : vector<1024x96xf32> -> vector<96x1024xf32>
    %swap3A_97 = arith.constant 4 : index
    %swap3A_98 = arith.constant 64 : index
    %swap3A_99 = arith.constant 0 : index
    %swap3A_100 = vector.load %arg5[%swap3A_97, %swap3A_98, %swap3A_99] : memref<8x160x1024xf32, #tpu.memory_space<vmem>>, vector<1x96x1024xf32>
    %swap3A_101 = vector.shape_cast %swap3A_100 : vector<1x96x1024xf32> to vector<96x1024xf32>
    %swap3A_102 = vector.shape_cast %transpose3A_96 : vector<96x1024xf32> to vector<1x96x1024xf32>
    tpu.vector_store %arg5[%swap3A_97, %swap3A_98, %swap3A_99], %swap3A_102 {strides = array<i32>} : memref<8x160x1024xf32, #tpu.memory_space<vmem>>, vector<1x96x1024xf32>,
    %slice3A_103 = vector.extract_strided_slice %add3A_10 {offsets = [0, 5120], sizes = [64, 1024], strides = [1, 1]} : vector<64x8192xf32> to vector<64x1024xf32>
    %swap3A_104 = arith.constant 5 : index
    %swap3A_105 = arith.constant 0 : index
    %swap3A_106 = arith.constant 0 : index
    %swap3A_107 = vector.load %arg5[%swap3A_104, %swap3A_105, %swap3A_106] : memref<8x160x1024xf32, #tpu.memory_space<vmem>>, vector<1x64x1024xf32>
    %swap3A_108 = vector.shape_cast %swap3A_107 : vector<1x64x1024xf32> to vector<64x1024xf32>
    %swap3A_109 = vector.shape_cast %slice3A_103 : vector<64x1024xf32> to vector<1x64x1024xf32>
    tpu.vector_store %arg5[%swap3A_104, %swap3A_105, %swap3A_106], %swap3A_109 {strides = array<i32>} : memref<8x160x1024xf32, #tpu.memory_space<vmem>>, vector<1x64x1024xf32>,
    %get3A_110 = arith.constant 5 : index
    %get3A_111 = arith.constant 0 : index
    %get3A_112 = arith.constant 0 : index
    %get3A_113 = vector.load %arg4[%get3A_110, %get3A_111, %get3A_112] : memref<8x1024x128xf32, #tpu.memory_space<vmem>>, vector<1x1024x96xf32>
    %get3A_114 = vector.shape_cast %get3A_113 : vector<1x1024x96xf32> to vector<1024x96xf32>
    %transpose3A_115 = tpu.transpose %get3A_114, [1, 0] : vector<1024x96xf32> -> vector<96x1024xf32>
    %swap3A_116 = arith.constant 5 : index
    %swap3A_117 = arith.constant 64 : index
    %swap3A_118 = arith.constant 0 : index
    %swap3A_119 = vector.load %arg5[%swap3A_116, %swap3A_117, %swap3A_118] : memref<8x160x1024xf32, #tpu.memory_space<vmem>>, vector<1x96x1024xf32>
    %swap3A_120 = vector.shape_cast %swap3A_119 : vector<1x96x1024xf32> to vector<96x1024xf32>
    %swap3A_121 = vector.shape_cast %transpose3A_115 : vector<96x1024xf32> to vector<1x96x1024xf32>
    tpu.vector_store %arg5[%swap3A_116, %swap3A_117, %swap3A_118], %swap3A_121 {strides = array<i32>} : memref<8x160x1024xf32, #tpu.memory_space<vmem>>, vector<1x96x1024xf32>,
    %slice3A_122 = vector.extract_strided_slice %add3A_10 {offsets = [0, 6144], sizes = [64, 1024], strides = [1, 1]} : vector<64x8192xf32> to vector<64x1024xf32>
    %swap3A_123 = arith.constant 6 : index
    %swap3A_124 = arith.constant 0 : index
    %swap3A_125 = arith.constant 0 : index
    %swap3A_126 = vector.load %arg5[%swap3A_123, %swap3A_124, %swap3A_125] : memref<8x160x1024xf32, #tpu.memory_space<vmem>>, vector<1x64x1024xf32>
    %swap3A_127 = vector.shape_cast %swap3A_126 : vector<1x64x1024xf32> to vector<64x1024xf32>
    %swap3A_128 = vector.shape_cast %slice3A_122 : vector<64x1024xf32> to vector<1x64x1024xf32>
    tpu.vector_store %arg5[%swap3A_123, %swap3A_124, %swap3A_125], %swap3A_128 {strides = array<i32>} : memref<8x160x1024xf32, #tpu.memory_space<vmem>>, vector<1x64x1024xf32>,
    %get3A_129 = arith.constant 6 : index
    %get3A_130 = arith.constant 0 : index
    %get3A_131 = arith.constant 0 : index
    %get3A_132 = vector.load %arg4[%get3A_129, %get3A_130, %get3A_131] : memref<8x1024x128xf32, #tpu.memory_space<vmem>>, vector<1x1024x96xf32>
    %get3A_133 = vector.shape_cast %get3A_132 : vector<1x1024x96xf32> to vector<1024x96xf32>
    %transpose3A_134 = tpu.transpose %get3A_133, [1, 0] : vector<1024x96xf32> -> vector<96x1024xf32>
    %swap3A_135 = arith.constant 6 : index
    %swap3A_136 = arith.constant 64 : index
    %swap3A_137 = arith.constant 0 : index
    %swap3A_138 = vector.load %arg5[%swap3A_135, %swap3A_136, %swap3A_137] : memref<8x160x1024xf32, #tpu.memory_space<vmem>>, vector<1x96x1024xf32>
    %swap3A_139 = vector.shape_cast %swap3A_138 : vector<1x96x1024xf32> to vector<96x1024xf32>
    %swap3A_140 = vector.shape_cast %transpose3A_134 : vector<96x1024xf32> to vector<1x96x1024xf32>
    tpu.vector_store %arg5[%swap3A_135, %swap3A_136, %swap3A_137], %swap3A_140 {strides = array<i32>} : memref<8x160x1024xf32, #tpu.memory_space<vmem>>, vector<1x96x1024xf32>,
    %slice3A_141 = vector.extract_strided_slice %add3A_10 {offsets = [0, 7168], sizes = [64, 1024], strides = [1, 1]} : vector<64x8192xf32> to vector<64x1024xf32>
    %swap3A_142 = arith.constant 7 : index
    %swap3A_143 = arith.constant 0 : index
    %swap3A_144 = arith.constant 0 : index
    %swap3A_145 = vector.load %arg5[%swap3A_142, %swap3A_143, %swap3A_144] : memref<8x160x1024xf32, #tpu.memory_space<vmem>>, vector<1x64x1024xf32>
    %swap3A_146 = vector.shape_cast %swap3A_145 : vector<1x64x1024xf32> to vector<64x1024xf32>
    %swap3A_147 = vector.shape_cast %slice3A_141 : vector<64x1024xf32> to vector<1x64x1024xf32>
    tpu.vector_store %arg5[%swap3A_142, %swap3A_143, %swap3A_144], %swap3A_147 {strides = array<i32>} : memref<8x160x1024xf32, #tpu.memory_space<vmem>>, vector<1x64x1024xf32>,
    %get3A_148 = arith.constant 7 : index
    %get3A_149 = arith.constant 0 : index
    %get3A_150 = arith.constant 0 : index
    %get3A_151 = vector.load %arg4[%get3A_148, %get3A_149, %get3A_150] : memref<8x1024x128xf32, #tpu.memory_space<vmem>>, vector<1x1024x96xf32>
    %get3A_152 = vector.shape_cast %get3A_151 : vector<1x1024x96xf32> to vector<1024x96xf32>
    %transpose3A_153 = tpu.transpose %get3A_152, [1, 0] : vector<1024x96xf32> -> vector<96x1024xf32>
    %swap3A_154 = arith.constant 7 : index
    %swap3A_155 = arith.constant 64 : index
    %swap3A_156 = arith.constant 0 : index
    %swap3A_157 = vector.load %arg5[%swap3A_154, %swap3A_155, %swap3A_156] : memref<8x160x1024xf32, #tpu.memory_space<vmem>>, vector<1x96x1024xf32>
    %swap3A_158 = vector.shape_cast %swap3A_157 : vector<1x96x1024xf32> to vector<96x1024xf32>
    %swap3A_159 = vector.shape_cast %transpose3A_153 : vector<96x1024xf32> to vector<1x96x1024xf32>
    tpu.vector_store %arg5[%swap3A_154, %swap3A_155, %swap3A_156], %swap3A_159 {strides = array<i32>} : memref<8x160x1024xf32, #tpu.memory_space<vmem>>, vector<1x96x1024xf32>,
    return
  }
  func.func @transform_0(%arg0: i32) -> (i32, i32, i32) {
    %c0_i32 = arith.constant 0 : i32
    %c0_i32_0 = arith.constant 0 : i32
    %c0_i32_1 = arith.constant 0 : i32
    return %c0_i32, %arg0, %c0_i32_0 : i32, i32, i32
  }
  func.func @transform_1(%arg0: i32) -> (i32, i32) {
    %c0_i32 = arith.constant 0 : i32
    %c0_i32_0 = arith.constant 0 : i32
    %c0_i32_1 = arith.constant 0 : i32
    return %c0_i32, %c0_i32_0 : i32, i32
  }
  func.func @transform_2(%arg0: i32) -> (i32, i32) {
    %c0_i32 = arith.constant 0 : i32
    %c0_i32_0 = arith.constant 0 : i32
    %c0_i32_1 = arith.constant 0 : i32
    return %c0_i32, %c0_i32_0 : i32, i32
  }
  func.func @transform_3(%arg0: i32) -> (i32, i32, i32) {
    %c0_i32 = arith.constant 0 : i32
    %c0_i32_0 = arith.constant 0 : i32
    %c0_i32_1 = arith.constant 0 : i32
    return %arg0, %c0_i32, %c0_i32_0 : i32, i32, i32
  }
  func.func @transform_4(%arg0: i32) -> (i32, i32, i32) {
    %c0_i32 = arith.constant 0 : i32
    %c0_i32_0 = arith.constant 0 : i32
    %c0_i32_1 = arith.constant 0 : i32
    return %arg0, %c0_i32, %c0_i32_0 : i32, i32, i32
  }
}

</mosaic_0001>

<sc_bundles>
// kernel: kernel.4.cloned.1.call-start
scs
__scs_entry_jumppad:
0x0: {  	(pc) =	sbr.rel $0x88, $3  }
0x1: {  	(tag) =	ssettag $0x0;
	lr =	simm.s32 $0x1  }
0x2: {  	[smem:$0x3F97] =	sst lr;
	_ =	strace $0xD0000000  }
0x3: {  	_ = 	snop  }
0x4: {  	_ = 	snop  }
0x5: {  	_ = 	snop  }
0x6: {  	_ = 	snop  }
0x7: {  	_ = 	snop  }
__scs_overlays_trampoline_lowered:
0x8: {  	[smem:$0x3FA6] =	sst s0  }
0x9: {  	[smem:$0x3FA7] =	sst s1  }
0xa: {  	[smem:$0x3FA8] =	sst s2  }
0xb: {  	[smem:$0x3FA9] =	sst s3  }
0xc: {  	[smem:$0x3FAA] =	sst s4  }
0xd: {  	[smem:$0x3FAB] =	sst s5  }
0xe: {  	[smem:$0x3FAC] =	sst s6  }
0xf: {  	[smem:$0x3FAD] =	sst s7  }
0x10: {  	[smem:$0x3FAE] =	sst s8  }
0x11: {  	[smem:$0x3FAF] =	sst s9;
	s0 =	simm.s32 @!p0 $0x0  }
0x12: {  	s1 =	sld [smem:$0x3F95];
	s0 =	simm.s32 @p0 $0x1  }
0x13: {  	[smem:$0x3FB0] =	sst s0;
	s0 =	simm.s32 @!p1 $0x0  }
0x14: {  	s2 =	sld [smem:$0x3F94];
	s0 =	simm.s32 @p1 $0x1  }
0x15: {  	[smem:$0x3FB1] =	sst s0;
	s0 =	simm.s32 @!p2 $0x0  }
0x16: {  	s3 =	sld [smem:$0x3FDB];
	s0 =	simm.s32 @p2 $0x1  }
0x17: {  	s4 =	simm.s32 $0x1BF5;
	[smem:$0x3FB3] =	sst s0  }
0x18: {  	s0 =	sld [smem:$0x3F96];
	_ =	swait.ge [sflag:s4], $0x0  }
0x19: {  	s7 =	sld [smem:$0x3F97]  }
0x1a: {  	s8 =	sadd.s32 $0xFFFFE003, lr  }
0x1b: {  	s9 =	sadd.s32 $0xFFFFFEF7, lr;
	s5 =	simm.s32 $0xFFFFFFFF;
	p2 =	slt.u32 s8, $0xFFFFF086  }
0x1c: {  	p1 =	slt.u32 s9, $0xF7A;
	s5 =	simm.s32 @!p2 $0x0  }
0x1d: {  	s5 =	simm.s32 @p1 $0x1;
	p0 =	seq.s32 s7, s2  }
0x1e: {  	s7 =	smul.u32 @!p0 $0xF7A, s2;
	p2 =	seq.s32 @!p0 s5, $0x0  }
0x1f: {  	s9 =	smul.u32 $0xF7A, s1;
	s8 =	simm.s32 @!p0 $0x1BF5;
	p2 =	por !p2, p0  }
0x20: {  	[sflag:s8] =	ssyncset.s32 @!p0 $0xFFFFF086;
	s6 =	sadd.s32 @!p0 s3, s7;
	s7 =	simm.s32 @!p0 $0x108  }
0x21: {  	s3 =	sadd.s32 s3, s9;
	s6 =	sadd.s32 @!p0 $0x88, s6;
	s7 =	simm.s32 @p2 $0x1082  }
0x22: {  	[simem:s7], [sflag:s8] =	dma.local @!p0 [hbm:s6], $0xF7A  }
0x23: {  	s9 =	sor.u32 $0xD0000000, s2;
	s6 =	simm.s32 $0x108;
	_ =	swait.ge @!p0 [sflag:s8], $0x0  }
0x24: {  	s3 =	sadd.s32 $0x88, s3;
	s6 =	simm.s32 @!p1 $0x1082;
	[sflag:s4] =	ssyncset.s32 $0xFFFFF086  }
0x25: {  	[simem:s6], [sflag:s4] =	dma.local [hbm:s3], $0xF7A  }
0x26: {  	[smem:$0x3F97] =	sst s1;
	(tag) =	ssettag s2;
	_ =	strace s9  }
0x27: {  	s1 =	sld [smem:$0x3FA7]  }
0x28: {  	s2 =	sld [smem:$0x3FA8]  }
0x29: {  	s4 =	sld [smem:$0x3FAA]  }
0x2a: {  	p0 =	seq.s32 s5, $0x0;
	s5 =	sld [smem:$0x3FAB]  }
0x2b: {  	s6 =	sld [smem:$0x3FAC]  }
0x2c: {  	s7 =	sld [smem:$0x3FAD]  }
0x2d: {  	s3 =	simm.s32 $0x108;
	s8 =	sld [smem:$0x3FAE]  }
0x2e: {  	s3 =	simm.s32 @!p0 $0x1082;
	s9 =	sld [smem:$0x3FAF]  }
0x2f: {  	lr =	sadd.s32 s0, s3;
	s0 =	sld [smem:$0x3FA6]  }
0x30: {  	s3 =	sld [smem:$0x3FA9]  }
0x31: {  	[smem:$0x3FB2] =	sst s10  }
0x32: {  	s10 =	sld [smem:$0x3FB0];
	_ =	sdelay $0x3  }
0x33: {  	p0 =	seq.s32 s10, $0x1;
	s10 =	sld [smem:$0x3FB2];
	_ =	sdelay $0x3  }
0x34: {  	[smem:$0x3FB2] =	sst s10  }
0x35: {  	s10 =	sld [smem:$0x3FB1];
	_ =	sdelay $0x3  }
0x36: {  	p1 =	seq.s32 s10, $0x1;
	s10 =	sld [smem:$0x3FB2];
	_ =	sdelay $0x3  }
0x37: {  	[smem:$0x3FB2] =	sst s10  }
0x38: {  	s10 =	sld [smem:$0x3FB3]  }
0x39: {  	_ = 	snop;
	(pc) =	sbr.ind lr, $3  }
0x3a: {  	_ = 	snop  }
0x3b: {  	_ = 	snop  }
0x3c: {  	p2 =	seq.s32 s10, $0x1;
	s10 =	sld [smem:$0x3FB2]  }
0x3d: {  	_ =	shalt  }
0x3e: {  	_ =	shalt  }
0x3f: {  	_ =	shalt  }
0x40: {  	_ =	shalt  }
0x41: {  	_ =	shalt  }
0x42: {  	_ =	shalt  }
0x43: {  	_ =	shalt  }
0x44: {  	_ =	shalt  }
0x45: {  	_ =	shalt  }
0x46: {  	_ =	shalt  }
0x47: {  	_ =	shalt  }
0x48: {  	_ =	shalt  }
0x49: {  	_ =	shalt  }
0x4a: {  	_ =	shalt  }
0x4b: {  	_ =	shalt  }
0x4c: {  	_ =	shalt  }
0x4d: {  	_ =	shalt  }
0x4e: {  	_ =	shalt  }
0x4f: {  	_ =	shalt  }
0x50: {  	_ =	shalt  }
0x51: {  	_ =	shalt  }
0x52: {  	_ =	shalt  }
0x53: {  	_ =	shalt  }
0x54: {  	_ =	shalt  }
0x55: {  	_ =	shalt  }
0x56: {  	_ =	shalt  }
0x57: {  	_ =	shalt  }
0x58: {  	_ =	shalt  }
0x59: {  	_ =	shalt  }
0x5a: {  	_ =	shalt  }
0x5b: {  	_ =	shalt  }
0x5c: {  	_ =	shalt  }
0x5d: {  	_ =	shalt  }
0x5e: {  	_ =	shalt  }
0x5f: {  	_ =	shalt  }
0x60: {  	_ =	shalt  }
0x61: {  	_ =	shalt  }
0x62: {  	_ =	shalt  }
0x63: {  	_ =	shalt  }
0x64: {  	_ =	shalt  }
0x65: {  	_ =	shalt  }
0x66: {  	_ =	shalt  }
0x67: {  	_ =	shalt  }
0x68: {  	_ =	shalt  }
0x69: {  	_ =	shalt  }
0x6a: {  	_ =	shalt  }
0x6b: {  	_ =	shalt  }
0x6c: {  	_ =	shalt  }
0x6d: {  	_ =	shalt  }
0x6e: {  	_ =	shalt  }
0x6f: {  	_ =	shalt  }
0x70: {  	_ =	shalt  }
0x71: {  	_ =	shalt  }
0x72: {  	_ =	shalt  }
0x73: {  	_ =	shalt  }
0x74: {  	_ =	shalt  }
0x75: {  	_ =	shalt  }
0x76: {  	_ =	shalt  }
0x77: {  	_ =	shalt  }
0x78: {  	_ =	shalt  }
0x79: {  	_ =	shalt  }
0x7a: {  	_ =	shalt  }
0x7b: {  	_ =	shalt  }
0x7c: {  	_ =	shalt  }
0x7d: {  	_ =	shalt  }
0x7e: {  	_ =	shalt  }
0x7f: {  	_ =	shalt  }
0x80: {  	_ =	shalt  }
0x81: {  	_ =	shalt  }
0x82: {  	_ =	shalt  }
0x83: {  	_ =	shalt  }
0x84: {  	_ =	shalt  }
0x85: {  	_ =	shalt  }
0x86: {  	_ =	shalt  }
0x87: {  	_ =	shalt  }
.Lfunc_end0:
.L_simem_size_0:
called_computation_lowered:
.L_overlay_start_0:
0x88: {  	s2 =	sld [smem:$0x3FD9]  }
0x89: {  	s3 =	sld [smem:$0x3FFE];
	_ =	sdelay $0x1  }
0x8a: {  	s1 =	srdreg.scid  }
0x8b: {  	s0 =	sand.u32 $0x1, s1  }
0x8c: {  	s16 =	sshll.u32 s0, $0xA;
	s2 =	sadd.s32 s3, s2  }
0x8d: {  	s2 =	sadd.s32 s2, s16  }
0x8e: {  	[smem:$0x3FBE] =	sst s2  }
0x8f: {  	_ = 	snop  }
0x90: {  	(tm) =	ssettm $0x1  }
0x91: {  	s17 =	sld [smem:$0x3FFB];
	_ =	sdelay $0x3  }
0x92: {  	_ =	strace s17  }
0x93: {  	s2 =	sld [smem:$0x3FFC];
	_ =	sdelay $0x3  }
0x94: {  	_ =	strace s2  }
0x95: {  	s2 =	sld [smem:$0x3FFD];
	_ =	sdelay $0x3  }
0x96: {  	_ =	strace s2  }
0x97: {  	_ =	strace $0x8FFFFFFF  }
0x98: {  	s18 =	sld [smem:$0x3FDB];
	_ =	sdelay $0x1  }
0x99: {  	s19 =	simm.s32 $_scs_section_size  }
0x9a: {  	s4 =	simm.s32 $_size__tile_overlayer_lowered;
	s5 =	simm.s32 $_tile_overlayer_lowered  }
0x9b: {  	s22 =	simm.s32 $0x1BFF;
	s21 =	sshll.u32 s5, $0x1;
	s2 =	sadd.s32 s19, s18  }
0x9c: {  	s6 =	simm.s32 $0x0;
	s20 =	sshll.u32 s4, $0x1;
	s4 =	sadd.s32 s21, s2  }
0x9d: {  	[timem:s6], [sflag:s22] =	dma.local [hbm:s4], s20  }
0x9e: {  	_ =	swait.ge [sflag:s22], s20  }
0x9f: {  	s3 =	ssub.s32 $0x0, s20;
	[sflag:s22] =	ssyncset.done $0x0  }
0xa0: {  	[sflag:s22] =	ssyncadd.s32 s3;
	_ =	sdelay $0x1  }
0xa1: {  	s23 =	simm.s32 $0x1B8B  }
0xa2: {  	_ =	swait.ge [sflag:s23], $0x1  }
0xa3: {  	[sflag:s23] =	ssyncset.done $0x0  }
0xa4: {  	s25 =	simm.s32 $0x1B8E;
	s24 =	sld [smem:$0x3FFE];
	[sflag:s23] =	ssyncadd.s32 $0xFFFFFFFF  }
0xa5: {  	s26 =	simm.s32 $execute0_lowered;
	[smem:$0x3FD2] =	sst s25  }
0xa6: {  	s4 =	sshll.u32 s26, $0x1;
	_ =	strace $0x80000046;
	[dreg:$0x1] =	wrdreg $0xFFFFFFFF  }
0xa7: {  	s28 =	simm.s32 $_size_execute0_lowered;
	s2 =	sadd.s32 s2, s4;
	[dreg:$0x0] =	wrdreg $0x0  }
0xa8: {  	s4 =	sshll.u32 s28, $0x1;
	[dreg:$0x2] =	wrdreg s2  }
0xa9: {  	[dreg:$0x3] =	wrdreg s4  }
0xaa: {  	[dreg:$0x4] =	wrdreg $0xC0  }
0xab: {  	_ =	task [dreg:s6], $0x5FFFF  }
0xac: {  	[dreg:$0x1] =	wrdreg $0xFFFFFFFF  }
0xad: {  	[dreg:$0x0] =	wrdreg $0x60  }
0xae: {  	[dreg:$0x2] =	wrdreg s24  }
0xaf: {  	[dreg:$0x3] =	wrdreg $0x9  }
0xb0: {  	_ =	task.clear_ibuf [dreg:s6], $0x4FFFF;
	_ =	strace $0x90000046  }
0xb1: {  	s29 =	simm.s32 $0x9;
	_ =	strace $0x80000048  }
0xb2: {  	_ =	swait.ge [sflag:s29], $0x1  }
0xb3: {  	[sflag:s29] =	ssyncadd.s32 $0xFFFFFFFF  }
0xb4: {  	_ =	strace $0x90000048  }
0xb5: {  	_ =	sfence  }
0xb6: {  	s30 =	sld [smem:$0x0];
	_ =	sdelay $0x2  }
0xb7: {  	s31 =	sshll.u32 s1, $0xD;
	s1 =	sshrl.u32 s1, $0x2  }
0xb8: {  	s3 =	sand.u32 $0x4000, s31;
	s1 =	sadd.s32 s1, s30  }
0xb9: {  	s0 =	sor.u32 s3, s0;
	s1 =	sshll.u32 s1, $0x11  }
0xba: {  	s0 =	sor.u32 s1, s0  }
0xbb: {  	s0 =	sadd.s32 $0x8F2B, s0  }
0xbc: {  	[sflag:s0] =	ssyncadd.remote.s32 $0x1  }
0xbd: {  	_ =	sfence.sel $0xFFFF  }
0xbe: {  	[dreg:$0x0] =	wrdreg $0xFFFFFFFF;
	(pc) =	sbr.abs _section_cstart, $3  }
0xbf: {  	[dreg:$0x1] =	wrdreg $0xFFFFFFFF  }
0xc0: {  	_ =	task.clear_ibuf [dreg:s6], $0x2FFFF;
	_ =	strace $0x9FFFFFFF  }
0xc1: {  	(tm) =	ssettm $0x7FFFFFFF  }
tec
execute0_lowered:
.L_overlay_start_1:
0x0: {  	(tag) =	ssettag $0x1  }
0x1: {  	s7 =	rddreg [dreg:$0x0];
	s1 =	simm.s32 $0x0  }
0x2: {  	s3 =	srdreg.scid;
	s13 =	simm.s32 $0x600;
	s14 =	simm.s32 $0x1600  }
0x3: {  	s15 =	simm.s32 $0x200;
	s16 =	simm.s32 $0x2600;
	s17 =	simm.s32 $0x300  }
0x4: {  	s18 =	simm.s32 $0x3600;
	s19 =	simm.s32 $0x400;
	s20 =	simm.s32 $0x4600  }
0x5: {  	s21 =	simm.s32 $0x500;
	s22 =	simm.s32 $0x5600;
	s23 =	simm.s32 $0x1  }
0x6: {  	s24 =	simm.s32 $0x10;
	s25 =	simm.s32 $0x80;
	s26 =	simm.s32 $0x0  }
0x7: {  	[smem:$0x7FF] =	sst s1;
	s2 =	sadd.s32 $0x28A00, s7;
	s4 =	sadd.s32 $0x59800, s7  }
0x8: {  	s8 =	sand.u32 $0x1, s3;
	_ =	strace $0x80000047;
	[dreg:$0x2] =	wrdreg s2  }
0x9: {  	s3 =	sadd.s32 $0x8A600, s7;
	s2 =	stileid.u32;
	s10 =	smul.u32 $0x1900, s8  }
0xa: {  	s5 =	sadd.s32 $0xEC200, s7;
	s6 =	sadd.s32 $0x11D000, s7;
	s9 =	smul.u32 $0x3200, s2  }
0xb: {  	[dreg:$0x3] =	wrdreg s4;
	s12 =	ssub.s32 $0x2, s8;
	s11 =	smul.u32 $0x32000, s2  }
0xc: {  	s4 =	sadd.s32 $0xBB400, s7;
	s8 =	smul.u32 $0x19000, s8;
	s31 =	sshrl.u32 s12, $0x1  }
0xd: {  	s9 =	sadd.s32 s10, s9;
	s30 =	sadd.s32 s11, s7;
	s11 =	ssub.s32 s12, s31  }
0xe: {  	s10 =	simm.s32 $0x100;
	s12 =	simm.s32 $0x2;
	s9 =	sshrl.u32 s9, $0x3  }
0xf: {  	s8 =	sadd.s32 s8, s30;
	s9 =	sadd.s32 s9, s7;
	s7 =	smax.u32 s11, $0x1  }
0x10: {  	s8 =	sadd.s32 $0x14DE00, s8;
	s11 =	simm.s32 $0x32000;
	s9 =	sadd.s32 $0x3200, s9  }
.LBB2_1:
0x11: {  	[tilespmem:s1], [sflag:$0x2] =	stream.strided.gather [hbm4b:s9+s10], $0x600, s11, s10, $0x38;
	[tilespmem:$0x6600] =	vst v63  }
0x12: {  	_ =	swait.ge [sflag:s12], $0x600  }
0x13: {  	[sflag:s12] =	ssyncset.done $0x0  }
0x14: {  	s28 =	rddreg [dreg:$0x2];
	[sflag:s12] =	ssyncadd.s32 $0xFFFFFA00  }
0x15: {  	[tilespmem:s13], [sflag:$0x1] =	stream.indirect.gather [hbm4b:s28+s10], $0x10, s1, s10, $0xb8;
	[tilespmem:$0x6600] =	vst v63  }
0x16: {  	s29 =	rddreg [dreg:$0x3]  }
0x17: {  	[tilespmem:s14], [sflag:$0x1] =	stream.indirect.gather [hbm4b:s29+s10], $0x10, s10, s10, $0xb8;
	[tilespmem:$0x6600] =	vst v63  }
0x18: {  	_ = 	snop  }
0x19: {  	[tilespmem:s16], [sflag:$0x1] =	stream.indirect.gather [hbm4b:s3+s10], $0x10, s15, s10, $0xb8;
	[tilespmem:$0x6600] =	vst v63  }
0x1a: {  	_ = 	snop  }
0x1b: {  	[tilespmem:s18], [sflag:$0x1] =	stream.indirect.gather [hbm4b:s4+s10], $0x10, s17, s10, $0xb8;
	[tilespmem:$0x6600] =	vst v63  }
0x1c: {  	_ = 	snop  }
0x1d: {  	[tilespmem:s20], [sflag:$0x1] =	stream.indirect.gather [hbm4b:s5+s10], $0x10, s19, s10, $0xb8;
	[tilespmem:$0x6600] =	vst v63  }
0x1e: {  	_ = 	snop  }
0x1f: {  	[tilespmem:s22], [sflag:$0x1] =	stream.indirect.gather [hbm4b:s6+s10], $0x10, s21, s10, $0xb8;
	[tilespmem:$0x6600] =	vst v63  }
0x20: {  	_ =	swait.ge [sflag:s23], $0x1000  }
0x21: {  	[sflag:s23] =	ssyncset.done $0x0  }
0x22: {  	[sflag:s23] =	ssyncadd.s32 $0xFFFFF000  }
0x23: {  	_ =	swait.ge [sflag:s23], $0x1000  }
0x24: {  	[sflag:s23] =	ssyncset.done $0x0  }
0x25: {  	[sflag:s23] =	ssyncadd.s32 $0xFFFFF000  }
0x26: {  	_ =	swait.ge [sflag:s23], $0x1000  }
0x27: {  	[sflag:s23] =	ssyncset.done $0x0  }
0x28: {  	[sflag:s23] =	ssyncadd.s32 $0xFFFFF000  }
0x29: {  	_ =	swait.ge [sflag:s23], $0x1000  }
0x2a: {  	[sflag:s23] =	ssyncset.done $0x0  }
0x2b: {  	[sflag:s23] =	ssyncadd.s32 $0xFFFFF000  }
0x2c: {  	_ =	swait.ge [sflag:s23], $0x1000  }
0x2d: {  	[sflag:s23] =	ssyncset.done $0x0  }
0x2e: {  	[sflag:s23] =	ssyncadd.s32 $0xFFFFF000  }
0x2f: {  	_ =	swait.ge [sflag:s23], $0x1000  }
0x30: {  	[sflag:s23] =	ssyncset.done $0x0  }
0x31: {  	s28 =	sadd.s32 $0x0, s8;
	[sflag:s23] =	ssyncadd.s32 $0xFFFFF000  }
0x32: {  	[hbm4b:s28+s24] =	stream.strided.scatter [tilespmem:s13], [sflag:$0x2], $0x1000, s25, s24, $0x38;
	[tilespmem:$0x6600] =	vst v63  }
0x33: {  	_ =	swait.ge [sflag:s12], $0x1000  }
0x34: {  	[sflag:s12] =	ssyncset.done $0x0  }
0x35: {  	s29 =	sadd.s32 $0x2, s28;
	[sflag:s12] =	ssyncadd.s32 $0xFFFFF000  }
0x36: {  	[hbm4b:s29+s24] =	stream.strided.scatter [tilespmem:s14], [sflag:$0x2], $0x1000, s25, s24, $0x38;
	[tilespmem:$0x6600] =	vst v63  }
0x37: {  	_ =	swait.ge [sflag:s12], $0x1000  }
0x38: {  	[sflag:s12] =	ssyncset.done $0x0  }
0x39: {  	s29 =	sadd.s32 $0x4, s28;
	[sflag:s12] =	ssyncadd.s32 $0xFFFFF000  }
0x3a: {  	[hbm4b:s29+s24] =	stream.strided.scatter [tilespmem:s16], [sflag:$0x2], $0x1000, s25, s24, $0x38;
	[tilespmem:$0x6600] =	vst v63  }
0x3b: {  	_ =	swait.ge [sflag:s12], $0x1000  }
0x3c: {  	[sflag:s12] =	ssyncset.done $0x0  }
0x3d: {  	s29 =	sadd.s32 $0x6, s28;
	[sflag:s12] =	ssyncadd.s32 $0xFFFFF000  }
0x3e: {  	[hbm4b:s29+s24] =	stream.strided.scatter [tilespmem:s18], [sflag:$0x2], $0x1000, s25, s24, $0x38;
	[tilespmem:$0x6600] =	vst v63  }
0x3f: {  	_ =	swait.ge [sflag:s12], $0x1000  }
0x40: {  	[sflag:s12] =	ssyncset.done $0x0  }
0x41: {  	s29 =	sadd.s32 $0x8, s28;
	[sflag:s12] =	ssyncadd.s32 $0xFFFFF000  }
0x42: {  	[hbm4b:s29+s24] =	stream.strided.scatter [tilespmem:s20], [sflag:$0x2], $0x1000, s25, s24, $0x38;
	[tilespmem:$0x6600] =	vst v63  }
0x43: {  	_ =	swait.ge [sflag:s12], $0x1000  }
0x44: {  	[sflag:s12] =	ssyncset.done $0x0  }
0x45: {  	s28 =	sadd.s32 $0xA, s28;
	[sflag:s12] =	ssyncadd.s32 $0xFFFFF000  }
0x46: {  	[hbm4b:s28+s24] =	stream.strided.scatter [tilespmem:s22], [sflag:$0x2], $0x1000, s25, s24, $0x38;
	[tilespmem:$0x6600] =	vst v63  }
0x47: {  	_ =	swait.ge [sflag:s12], $0x1000  }
0x48: {  	s29 =	smov.u32 s9;
	s28 =	simm.s32 $0x1000;
	[sflag:s12] =	ssyncset.done $0x0  }
.LBB2_2:
0x49: {  	[sflag:s12] =	ssyncadd.s32 $0xFFFFF000;
	s29 =	sadd.s32 $0x20, s29  }
0x4a: {  	[tilespmem:s1], [sflag:$0x2] =	stream.strided.gather [hbm4b:s29+s10], $0x600, s11, s10, $0x38;
	[tilespmem:$0x6600] =	vst v63  }
0x4b: {  	_ =	swait.ge [sflag:s12], $0x600  }
0x4c: {  	[sflag:s12] =	ssyncset.done $0x0  }
0x4d: {  	s31 =	rddreg [dreg:$0x2];
	[sflag:s12] =	ssyncadd.s32 $0xFFFFFA00  }
0x4e: {  	[tilespmem:s13], [sflag:$0x1] =	stream.indirect.gather [hbm4b:s31+s10], $0x10, s1, s10, $0xb8;
	[tilespmem:$0x6600] =	vst v63  }
0x4f: {  	s0 =	rddreg [dreg:$0x3]  }
0x50: {  	[tilespmem:s14], [sflag:$0x1] =	stream.indirect.gather [hbm4b:s0+s10], $0x10, s10, s10, $0xb8;
	[tilespmem:$0x6600] =	vst v63  }
0x51: {  	_ = 	snop  }
0x52: {  	[tilespmem:s16], [sflag:$0x1] =	stream.indirect.gather [hbm4b:s3+s10], $0x10, s15, s10, $0xb8;
	[tilespmem:$0x6600] =	vst v63  }
0x53: {  	_ = 	snop  }
0x54: {  	[tilespmem:s18], [sflag:$0x1] =	stream.indirect.gather [hbm4b:s4+s10], $0x10, s17, s10, $0xb8;
	[tilespmem:$0x6600] =	vst v63  }
0x55: {  	_ = 	snop  }
0x56: {  	[tilespmem:s20], [sflag:$0x1] =	stream.indirect.gather [hbm4b:s5+s10], $0x10, s19, s10, $0xb8;
	[tilespmem:$0x6600] =	vst v63  }
0x57: {  	_ = 	snop  }
0x58: {  	[tilespmem:s22], [sflag:$0x1] =	stream.indirect.gather [hbm4b:s6+s10], $0x10, s21, s10, $0xb8;
	[tilespmem:$0x6600] =	vst v63  }
0x59: {  	_ =	swait.ge [sflag:s23], $0x1000  }
0x5a: {  	[sflag:s23] =	ssyncset.done $0x0  }
0x5b: {  	[sflag:s23] =	ssyncadd.s32 $0xFFFFF000  }
0x5c: {  	_ =	swait.ge [sflag:s23], $0x1000  }
0x5d: {  	[sflag:s23] =	ssyncset.done $0x0  }
0x5e: {  	[sflag:s23] =	ssyncadd.s32 $0xFFFFF000  }
0x5f: {  	_ =	swait.ge [sflag:s23], $0x1000  }
0x60: {  	[sflag:s23] =	ssyncset.done $0x0  }
0x61: {  	[sflag:s23] =	ssyncadd.s32 $0xFFFFF000  }
0x62: {  	_ =	swait.ge [sflag:s23], $0x1000  }
0x63: {  	[sflag:s23] =	ssyncset.done $0x0  }
0x64: {  	[sflag:s23] =	ssyncadd.s32 $0xFFFFF000  }
0x65: {  	_ =	swait.ge [sflag:s23], $0x1000  }
0x66: {  	[sflag:s23] =	ssyncset.done $0x0  }
0x67: {  	[sflag:s23] =	ssyncadd.s32 $0xFFFFF000  }
0x68: {  	_ =	swait.ge [sflag:s23], $0x1000  }
0x69: {  	s30 =	smov.u32 s28;
	[sflag:s23] =	ssyncset.done $0x0  }
0x6a: {  	s0 =	sadd.s32 s30, s8;
	[sflag:s23] =	ssyncadd.s32 $0xFFFFF000  }
0x6b: {  	[hbm4b:s0+s24] =	stream.strided.scatter [tilespmem:s13], [sflag:$0x2], $0x1000, s25, s24, $0x38;
	[tilespmem:$0x6600] =	vst v63  }
0x6c: {  	_ =	swait.ge [sflag:s12], $0x1000  }
0x6d: {  	[sflag:s12] =	ssyncset.done $0x0  }
0x6e: {  	s30 =	sadd.s32 $0x2, s0;
	[sflag:s12] =	ssyncadd.s32 $0xFFFFF000  }
0x6f: {  	[hbm4b:s30+s24] =	stream.strided.scatter [tilespmem:s14], [sflag:$0x2], $0x1000, s25, s24, $0x38;
	[tilespmem:$0x6600] =	vst v63  }
0x70: {  	_ =	swait.ge [sflag:s12], $0x1000  }
0x71: {  	[sflag:s12] =	ssyncset.done $0x0  }
0x72: {  	s31 =	sadd.s32 $0x4, s0;
	[sflag:s12] =	ssyncadd.s32 $0xFFFFF000  }
0x73: {  	[hbm4b:s31+s24] =	stream.strided.scatter [tilespmem:s16], [sflag:$0x2], $0x1000, s25, s24, $0x38;
	[tilespmem:$0x6600] =	vst v63  }
0x74: {  	_ =	swait.ge [sflag:s12], $0x1000  }
0x75: {  	[sflag:s12] =	ssyncset.done $0x0  }
0x76: {  	s31 =	sadd.s32 $0x6, s0;
	[sflag:s12] =	ssyncadd.s32 $0xFFFFF000  }
0x77: {  	[hbm4b:s31+s24] =	stream.strided.scatter [tilespmem:s18], [sflag:$0x2], $0x1000, s25, s24, $0x38;
	[tilespmem:$0x6600] =	vst v63  }
0x78: {  	_ =	swait.ge [sflag:s12], $0x1000  }
0x79: {  	[sflag:s12] =	ssyncset.done $0x0  }
0x7a: {  	s31 =	sadd.s32 $0x8, s0;
	[sflag:s12] =	ssyncadd.s32 $0xFFFFF000  }
0x7b: {  	[hbm4b:s31+s24] =	stream.strided.scatter [tilespmem:s20], [sflag:$0x2], $0x1000, s25, s24, $0x38;
	[tilespmem:$0x6600] =	vst v63  }
0x7c: {  	p0 =	sne.s32 s28, $0x18000;
	_ =	swait.ge [sflag:s12], $0x1000  }
.Ltmp0:
0x7d: {  	[sflag:s12] =	ssyncset.done $0x0;
	(pc) =	sbr.rel @p0 .LBB2_2-.Ltmp0, $4  }
0x7e: {  	s0 =	sadd.s32 $0xA, s0;
	[sflag:s12] =	ssyncadd.s32 $0xFFFFF000  }
0x7f: {  	[hbm4b:s0+s24] =	stream.strided.scatter [tilespmem:s22], [sflag:$0x2], $0x1000, s25, s24, $0x38;
	[tilespmem:$0x6600] =	vst v63  }
0x80: {  	_ =	swait.ge [sflag:s12], $0x1000  }
0x81: {  	s28 =	sadd.s32 $0x1000, s28;
	[sflag:s12] =	ssyncset.done $0x0  }
0x82: {  	s26 =	sadd.s32 $0x1, s26  }
0x83: {  	p0 =	sne.s32 s26, s7  }
.Ltmp1:
0x84: {  	_ = 	snop;
	(pc) =	sbr.rel @p0 .LBB2_1-.Ltmp1, $2  }
0x85: {  	_ =	sdelay $0x2  }
0x86: {  	[sflag:s12] =	ssyncadd.s32 $0xFFFFF000  }
0x87: {  	_ =	sfence.sel $0x180000  }
0x88: {  	[bflag:$0x0] =	sbarrier.arrive $0xFFFF  }
0x89: {  	_ =	strace $0x90000047  }
0x8a: {  	[bflag:$0x2] =	sbarrier.arrive $0xFFFF  }
0x8b: {  	p0 =	sne.s32 s2, $0x0;
	s0 =	rddreg [dreg:$0x1]  }
0x8c: {  	s0 =	sadd.s32 @!p0 $0x100000, s0  }
0x8d: {  	[sflag:s0] =	ssyncadd.tile.s32 @!p0 $0x1;
	_ =	shalt  }
.Lfunc_end2:
_tile_overlayer_lowered:
.L_overlay_start_2:
0x8e: {  	(tag) =	ssettag $0x2  }
0x8f: {  	s0 =	rddreg [dreg:$0x0];
	s2 =	stileid.u32  }
0x90: {  	s1 =	rddreg [dreg:$0x1];
	p0 =	sne.s32 s2, $0x0  }
0x91: {  	s3 =	rddreg [dreg:$0x2];
	[bflag:$0x3] =	sbarrier.arrive $0xFFFF;
	s2 =	simm.s32 @!p0 $0x1C02  }
0x92: {  	[timem:s3], [sflag:s2] =	dma.local @!p0 [hbm:s0], s1  }
0x93: {  	s0 =	simm.s32 @!p0 $0x2  }
0x94: {  	_ =	swait.ge @!p0 [sflag:s0], s1  }
0x95: {  	s1 =	ssub.s32 @!p0 $0x0, s1;
	[sflag:s0] =	ssyncset.done @!p0 $0x0  }
0x96: {  	[sflag:s0] =	ssyncadd.s32 @!p0 s1  }
0x97: {  	[bflag:$0x3] =	sbarrier.arrive $0xFFFF  }
0x98: {  	_ =	shalt  }

</sc_bundles>
